<compile_context>
chip_gen: v7x
topology: tpu7x:2x2x1
jax: 0.10.2.dev20260603
libtpu: 0.0.44.dev20260713+nightly
codegen_flags: <defaults>
</compile_context>

<pallas_src>
import functools

import jax
import jax.numpy as jnp
from jax import lax
from jax.experimental import pallas as pl
from jax.experimental.pallas import tpu as pltpu
from jax.experimental.pallas import tpu_sc as plsc

_N = 10000
_NPAD = 10240
_NC = 2
_NS = 16
_NW = _NC * _NS
_RPT = _NPAD // _NS
_NPAGG = 10112
_RPA = _NPAGG // _NS
_K = 80

_mesh = lambda: plsc.VectorSubcoreMesh(core_axis_name="c", subcore_axis_name="s")


def _fill_f32_1d(ref, n, value):
    v = jnp.full((16,), value, jnp.float32)

    @pl.loop(0, n // 16)
    def _(i):
        ref[pl.ds(i * 16, 16)] = v


def _fill_f32_2d(ref, rows, cols, value):
    v = jnp.full((16,), value, jnp.float32)

    @pl.loop(0, rows)
    def _(i):
        for c in range(cols // 16):
            ref[i, pl.ds(c * 16, 16)] = v


@functools.lru_cache()
def _make_count(nb, kb):

    @functools.partial(
        pl.kernel,
        out_type=jax.ShapeDtypeStruct((_NC, _NPAD), jnp.float32),
        mesh=_mesh(),
        scratch_types=[
            pltpu.VMEM((nb, kb), jnp.int32),
            pltpu.VMEM((kb,), jnp.float32),
            pltpu.VMEM((_RPT,), jnp.float32),
            pltpu.VMEM_SHARED((_NPAD,), jnp.float32),
        ],
    )
    def count(dst_hbm, out_hbm, dst_v, ones_v, zb_v, acc):
        cid = lax.axis_index("c")
        sid = lax.axis_index("s")
        wid = cid * _NS + sid
        _fill_f32_1d(ones_v, kb, 1.0)
        _fill_f32_1d(zb_v, _RPT, 0.0)
        pltpu.sync_copy(zb_v, acc.at[pl.ds(sid * _RPT, _RPT)])
        plsc.subcore_barrier()
        pltpu.sync_copy(dst_hbm.at[wid], dst_v)

        @pl.loop(0, nb)
        def _(j):
            pltpu.sync_copy(ones_v, acc.at[dst_v.at[j]], add=True)

        plsc.subcore_barrier()
        sl = pl.ds(sid * _RPT, _RPT)
        pltpu.sync_copy(acc.at[sl], out_hbm.at[cid, sl])

    return count


@functools.lru_cache()
def _make_agg(nsup, kb, d, depth):

    @functools.partial(
        pl.kernel,
        out_type=jax.ShapeDtypeStruct((_NC, _NPAGG, d), jnp.float32),
        mesh=_mesh(),
        scratch_types=[
            pltpu.VMEM((nsup, kb), jnp.int32),
            pltpu.VMEM((nsup, kb), jnp.int32),
            pltpu.VMEM((kb, d), jnp.float32),
            pltpu.VMEM_SHARED((_NPAGG, d), jnp.float32),
            pltpu.SemaphoreType.DMA,
        ],
    )
    def agg(g_hbm, src_hbm, dst_hbm, out_hbm, src_v, dst_v, rows_v,
            acc, sem_g):
        cid = lax.axis_index("c")
        sid = lax.axis_index("s")
        wid = cid * _NS + sid

        _fill_f32_2d(rows_v, kb, d, 0.0)
        nfull, rem = divmod(_RPA, kb)

        @pl.loop(0, nfull)
        def _(t):
            pltpu.sync_copy(rows_v,
                            acc.at[pl.ds(sid * _RPA + t * kb, kb)])

        if rem:
            pltpu.sync_copy(rows_v.at[pl.ds(0, rem)],
                            acc.at[pl.ds(sid * _RPA + nfull * kb, rem)])
        plsc.subcore_barrier()
        pltpu.sync_copy(src_hbm.at[wid], src_v)
        pltpu.sync_copy(dst_hbm.at[wid], dst_v)

        @pl.loop(0, nsup)
        def _(j):
            pltpu.async_copy(g_hbm.at[src_v.at[j]], rows_v, sem_g).wait()
            pltpu.sync_copy(rows_v, acc.at[dst_v.at[j]], add=True)

        plsc.subcore_barrier()
        sl = pl.ds(sid * _RPA, _RPA)
        pltpu.sync_copy(acc.at[sl], out_hbm.at[cid, sl])

    return agg


def _tc_layer1(x, w1, cnt0, cnt1, r=1000):
    n, din = x.shape
    dh = w1.shape[1]

    def body(x_ref, w_ref, c0_ref, c1_ref, g_ref, dis_ref):
        deg = c0_ref[...] + c1_ref[...] + 1.0
        dis = lax.rsqrt(deg)
        h = jnp.dot(x_ref[...], w_ref[...], preferred_element_type=jnp.float32)
        g_ref[...] = h * dis
        dis_ref[...] = dis

    return pl.pallas_call(
        body,
        grid=(n // r,),
        in_specs=[
            pl.BlockSpec((r, din), lambda i: (i, 0)),
            pl.BlockSpec((din, dh), lambda i: (0, 0)),
            pl.BlockSpec((r, 1), lambda i: (i, 0)),
            pl.BlockSpec((r, 1), lambda i: (i, 0)),
        ],
        out_specs=[
            pl.BlockSpec((r, dh), lambda i: (i, 0)),
            pl.BlockSpec((r, 1), lambda i: (i, 0)),
        ],
        out_shape=[
            jax.ShapeDtypeStruct((n, dh), jnp.float32),
            jax.ShapeDtypeStruct((n, 1), jnp.float32),
        ],
    )(x, w1, cnt0, cnt1)


def _tc_layer2(parts, g1, dis, b1, r=1000):
    n, dh = g1.shape

    def body(p_ref, g1_ref, dis_ref, b_ref, q_ref):
        dis = dis_ref[...]
        s = dis * (p_ref[0] + p_ref[1] + g1_ref[...]) + b_ref[...]
        q_ref[...] = jnp.maximum(s, 0.0) * dis

    return pl.pallas_call(
        body,
        grid=(n // r,),
        in_specs=[
            pl.BlockSpec((2, r, dh), lambda i: (0, i, 0)),
            pl.BlockSpec((r, dh), lambda i: (i, 0)),
            pl.BlockSpec((r, 1), lambda i: (i, 0)),
            pl.BlockSpec((1, dh), lambda i: (0, 0)),
        ],
        out_specs=pl.BlockSpec((r, dh), lambda i: (i, 0)),
        out_shape=jax.ShapeDtypeStruct((n, dh), jnp.float32),
    )(parts, g1, dis, b1)


def _tc_final(parts, q, dis, w2, b2, r=1000):
    n, dh = q.shape
    do = w2.shape[1]

    def body(p_ref, q_ref, dis_ref, w_ref, b_ref, o_ref):
        t = dis_ref[...] * (p_ref[0] + p_ref[1] + q_ref[...])
        o = jnp.dot(t, w_ref[...], preferred_element_type=jnp.float32)
        o = o + b_ref[...]
        m = jnp.max(o, axis=-1, keepdims=True)
        sh = o - m
        lse = jnp.log(jnp.sum(jnp.exp(sh), axis=-1, keepdims=True))
        o_ref[...] = sh - lse

    return pl.pallas_call(
        body,
        grid=(n // r,),
        in_specs=[
            pl.BlockSpec((2, r, dh), lambda i: (0, i, 0)),
            pl.BlockSpec((r, dh), lambda i: (i, 0)),
            pl.BlockSpec((r, 1), lambda i: (i, 0)),
            pl.BlockSpec((dh, do), lambda i: (0, 0)),
            pl.BlockSpec((1, do), lambda i: (0, 0)),
        ],
        out_specs=pl.BlockSpec((r, do), lambda i: (i, 0)),
        out_shape=jax.ShapeDtypeStruct((n, do), jnp.float32),
    )(parts, q, dis, w2, b2)


def kernel(x, edge_index, W1, b1, W2, b2):
    n = x.shape[0]
    e = edge_index.shape[1]
    kb = 80
    epw = -(-e // (_NW * kb)) * kb
    nsup = epw // kb
    pad = _NW * epw - e
    assert n == _N and nsup >= 2

    ei = edge_index.astype(jnp.int32)
    src = jnp.concatenate([ei[0], jnp.zeros((pad,), jnp.int32)])
    pad_rows = jnp.arange(pad, dtype=jnp.int32) % (_NPAGG - _N) + _N
    dst = jnp.concatenate([ei[1], pad_rows])
    src = src.reshape(_NW, nsup, kb)
    dst = dst.reshape(_NW, nsup, kb)

    cnt = _make_count(nsup, kb)(dst)
    cnt0 = cnt[0, :_N].reshape(_N, 1)
    cnt1 = cnt[1, :_N].reshape(_N, 1)

    g1, dis = _tc_layer1(x, W1, cnt0, cnt1)
    a1 = _make_agg(nsup, kb, 128, 2)(g1, src, dst)
    q = _tc_layer2(a1, g1, dis, b1.reshape(1, -1))
    a2 = _make_agg(nsup, kb, 128, 3)(q, src, dst)
    return _tc_final(a2, q, dis, W2, b2.reshape(1, -1))

# --- scband reference (transcript-rebuilt; emitter-appended) ---
"""Pipeline reference for scband-gcn-20469814133288 (READ-ONLY COPY).

The authoritative reference and input builder live on the scoring server;
editing this copy changes nothing except your own understanding.
"""

import jax, jax.numpy as jnp
import numpy as np

N_NODES = 10000
D_IN = 128
D_HID = 128
D_OUT = 64
N_EDGES = 320000


def setup_inputs(seed: int = 0) -> dict:
    key = jax.random.key(seed)
    k_x, k_ei, k_w1, k_b1, k_w2, k_b2 = [jax.random.fold_in(key, i) for i in range(6)]
    x = jax.random.normal(k_x, (N_NODES, D_IN), dtype=jnp.float32)
    edge_index = jax.random.randint(k_ei, (2, N_EDGES), 0, N_NODES, dtype=jnp.int64)
    # Glorot-style init for GCNConv weights; zero bias (PyG default)
    W1 = jax.random.normal(k_w1, (D_IN, D_HID), dtype=jnp.float32) * (1.0 / np.sqrt(D_IN))
    b1 = jnp.zeros((D_HID,), dtype=jnp.float32)
    W2 = jax.random.normal(k_w2, (D_HID, D_OUT), dtype=jnp.float32) * (1.0 / np.sqrt(D_HID))
    b2 = jnp.zeros((D_OUT,), dtype=jnp.float32)
    return {"x": x, "edge_index": edge_index, "W1": W1, "b1": b1, "W2": W2, "b2": b2}


def _gcn_conv(x, edge_index, W, b):
    N = x.shape[0]
    # add self-loops (PyG GCNConv default add_self_loops=True)
    loop = jnp.arange(N, dtype=edge_index.dtype)
    src = jnp.concatenate([edge_index[0], loop])
    dst = jnp.concatenate([edge_index[1], loop])
    # linear transform first (reduces message dim work, matches PyG order)
    h = x @ W
    # symmetric normalization D^{-1/2} (A + I) D^{-1/2}
    deg = jnp.zeros((N,), dtype=h.dtype).at[dst].add(1.0)
    deg_inv_sqrt = jnp.where(deg > 0, jax.lax.rsqrt(deg), 0.0)
    norm = deg_inv_sqrt[src] * deg_inv_sqrt[dst]
    msg = h[src] * norm[:, None]
    out = jnp.zeros_like(h).at[dst].add(msg)
    return out + b


def reference(x, edge_index, W1, b1, W2, b2):
    h = _gcn_conv(x, edge_index, W1, b1)
    h = jax.nn.relu(h)
    # dropout p=0.0 and eval mode -> identity
    out = _gcn_conv(h, edge_index, W2, b2)
    return jax.nn.log_softmax(out, axis=-1)

if __name__ == "__main__":
    import jax
    _d = setup_inputs()
    print(jax.jit(kernel)(*tuple(_d.values())))

</pallas_src>

<mosaic_0001>
#map = affine_map<(d0, d1) -> (0, 0, 0)>
#map1 = affine_map<(d0, d1) -> (0, 0)>
module attributes {stable_mosaic.version = 14 : i64} {
  func.func @count(%arg0: i32, %arg1: i32, %arg2: memref<32x125x80xi32, #tpu.memory_space<hbm>>, %arg3: memref<2x10240xf32, #tpu.memory_space<hbm>>, %arg4: memref<125x80xi32, #tpu.memory_space<vmem>>, %arg5: memref<80xf32, #tpu.memory_space<vmem>>, %arg6: memref<640xf32, #tpu.memory_space<vmem>>, %arg7: memref<10240xf32, #tpu.memory_space<vmem_shared>>) attributes {dimension_semantics = [#tpu.dimension_semantics<core_parallel>, #tpu.dimension_semantics<subcore_parallel>], iteration_bounds = array<i64: 2, 16>, scalar_prefetch = 0 : i64, scratch_operands = 4 : i64, tpu.core_type = #tpu.core_type<sc_vector_subcore>, window_params = [{transform_indices = #map}, {transform_indices = #map1}]} {
    %mul3A = arith.constant 16 : i32
    %mul3A_0 = arith.muli %arg0, %mul3A : i32
    %add3A = arith.addi %mul3A_0, %arg1 : i32
    %broadcast_in_dim3A = arith.constant 1.000000e+00 : f32
    %broadcast_in_dim3A_1 = vector.broadcast %broadcast_in_dim3A : f32 to vector<16xf32>
    %scan3A = arith.constant 0 : i32
    %scan3A_2 = arith.constant 5 : i32
    %scan3A_3 = arith.addi %scan3A, %scan3A_2 : i32
    %scan3A_4 = arith.constant 1 : i32
    scf.for %scan3A_23 = %scan3A to %scan3A_3 step %scan3A_4  : i32 {
      %mul3A_24 = arith.constant 1 : i32
      %mul3A_25 = arith.muli %scan3A_23, %mul3A_24 : i32
      %add3A_26 = arith.constant 0 : i32
      %add3A_27 = arith.addi %add3A_26, %mul3A_25 : i32
      %mul3A_28 = arith.constant 16 : i32
      %mul3A_29 = arith.muli %add3A_27, %mul3A_28 : i32
      %swap3A = arith.index_cast %mul3A_29 : i32 to index
      %swap3A_30 = tpu.vector_load %arg5[%swap3A] {strides = array<i32>} : memref<80xf32, #tpu.memory_space<vmem>>, vector<16xf32>,
      %swap3A_31 = vector.shape_cast %swap3A_30 : vector<16xf32> to vector<16xf32>
      %swap3A_32 = vector.shape_cast %broadcast_in_dim3A_1 : vector<16xf32> to vector<16xf32>
      tpu.vector_store %arg5[%swap3A], %swap3A_32 {strides = array<i32>} : memref<80xf32, #tpu.memory_space<vmem>>, vector<16xf32>,
    }
    %scan3A_5 = arith.constant 5 : i32
    %broadcast_in_dim3A_6 = arith.constant 0.000000e+00 : f32
    %broadcast_in_dim3A_7 = vector.broadcast %broadcast_in_dim3A_6 : f32 to vector<16xf32>
    %scan3A_8 = arith.constant 0 : i32
    %scan3A_9 = arith.constant 40 : i32
    %scan3A_10 = arith.addi %scan3A_8, %scan3A_9 : i32
    %scan3A_11 = arith.constant 1 : i32
    scf.for %scan3A_23 = %scan3A_8 to %scan3A_10 step %scan3A_11  : i32 {
      %mul3A_24 = arith.constant 1 : i32
      %mul3A_25 = arith.muli %scan3A_23, %mul3A_24 : i32
      %add3A_26 = arith.constant 0 : i32
      %add3A_27 = arith.addi %add3A_26, %mul3A_25 : i32
      %mul3A_28 = arith.constant 16 : i32
      %mul3A_29 = arith.muli %add3A_27, %mul3A_28 : i32
      %swap3A = arith.index_cast %mul3A_29 : i32 to index
      %swap3A_30 = tpu.vector_load %arg6[%swap3A] {strides = array<i32>} : memref<640xf32, #tpu.memory_space<vmem>>, vector<16xf32>,
      %swap3A_31 = vector.shape_cast %swap3A_30 : vector<16xf32> to vector<16xf32>
      %swap3A_32 = vector.shape_cast %broadcast_in_dim3A_7 : vector<16xf32> to vector<16xf32>
      tpu.vector_store %arg6[%swap3A], %swap3A_32 {strides = array<i32>} : memref<640xf32, #tpu.memory_space<vmem>>, vector<16xf32>,
    }
    %scan3A_12 = arith.constant 40 : i32
    %mul3A_13 = arith.constant 640 : i32
    %mul3A_14 = arith.muli %arg1, %mul3A_13 : i32
    "tpu.region"() ({
      %run_scoped3A = tpu.sem_alloc : memref<!tpu.dma_semaphore, #tpu.memory_space<semaphore_mem>>
      %dma_start3A = tpu.memref_slice %arg7[%mul3A_14] : memref<10240xf32, #tpu.memory_space<vmem_shared>> -> memref<640xf32, #tpu.memory_space<vmem_shared>>
      %dma_start3A_23 = tpu.memref_slice %arg7[%mul3A_14] : memref<10240xf32, #tpu.memory_space<vmem_shared>> -> memref<640xf32, #tpu.memory_space<vmem_shared>>
      tpu.enqueue_dma source(%arg6 : memref<640xf32, #tpu.memory_space<vmem>>) target(%dma_start3A_23 : memref<640xf32, #tpu.memory_space<vmem_shared>>) target_semaphore(%run_scoped3A : memref<!tpu.dma_semaphore, #tpu.memory_space<semaphore_mem>>)
      %dma_wait3A = tpu.memref_slice %arg7[%mul3A_14] : memref<10240xf32, #tpu.memory_space<vmem_shared>> -> memref<640xf32, #tpu.memory_space<vmem_shared>>
      %dma_wait3A_24 = tpu.memref_slice %arg7[%mul3A_14] : memref<10240xf32, #tpu.memory_space<vmem_shared>> -> memref<640xf32, #tpu.memory_space<vmem_shared>>
      tpu.wait_dma2 semaphore(%run_scoped3A : memref<!tpu.dma_semaphore, #tpu.memory_space<semaphore_mem>>) src(%arg6 : memref<640xf32, #tpu.memory_space<vmem>>) dst(%dma_wait3A_24 : memref<640xf32, #tpu.memory_space<vmem_shared>>)
      tpu.yield
    }) : () -> ()
    %barrier3A = arith.constant 0 : index
    tpu.barrier barrier_id(%barrier3A)
    "tpu.region"() ({
      %run_scoped3A = tpu.sem_alloc : memref<!tpu.dma_semaphore, #tpu.memory_space<semaphore_mem>>
      %dma_start3A = arith.constant 0 : i32
      %dma_start3A_23 = arith.constant 0 : i32
      %dma_start3A_24 = tpu.memref_slice %arg2[%add3A, %dma_start3A, %dma_start3A_23] : memref<32x125x80xi32, #tpu.memory_space<hbm>> -> memref<1x125x80xi32, #tpu.memory_space<hbm>>
      %dma_start3A_25 = tpu.memref_squeeze %dma_start3A_24 : memref<1x125x80xi32, #tpu.memory_space<hbm>> -> memref<125x80xi32, #tpu.memory_space<hbm>>
      %dma_start3A_26 = arith.constant 0 : i32
      %dma_start3A_27 = arith.constant 0 : i32
      %dma_start3A_28 = tpu.memref_slice %arg2[%add3A, %dma_start3A_26, %dma_start3A_27] : memref<32x125x80xi32, #tpu.memory_space<hbm>> -> memref<1x125x80xi32, #tpu.memory_space<hbm>>
      %dma_start3A_29 = tpu.memref_squeeze %dma_start3A_28 : memref<1x125x80xi32, #tpu.memory_space<hbm>> -> memref<125x80xi32, #tpu.memory_space<hbm>>
      tpu.enqueue_dma source(%dma_start3A_29 : memref<125x80xi32, #tpu.memory_space<hbm>>) target(%arg4 : memref<125x80xi32, #tpu.memory_space<vmem>>) target_semaphore(%run_scoped3A : memref<!tpu.dma_semaphore, #tpu.memory_space<semaphore_mem>>)
      %dma_wait3A = arith.constant 0 : i32
      %dma_wait3A_30 = arith.constant 0 : i32
      %dma_wait3A_31 = tpu.memref_slice %arg2[%add3A, %dma_wait3A, %dma_wait3A_30] : memref<32x125x80xi32, #tpu.memory_space<hbm>> -> memref<1x125x80xi32, #tpu.memory_space<hbm>>
      %dma_wait3A_32 = tpu.memref_squeeze %dma_wait3A_31 : memref<1x125x80xi32, #tpu.memory_space<hbm>> -> memref<125x80xi32, #tpu.memory_space<hbm>>
      %dma_wait3A_33 = arith.constant 0 : i32
      %dma_wait3A_34 = arith.constant 0 : i32
      %dma_wait3A_35 = tpu.memref_slice %arg2[%add3A, %dma_wait3A_33, %dma_wait3A_34] : memref<32x125x80xi32, #tpu.memory_space<hbm>> -> memref<1x125x80xi32, #tpu.memory_space<hbm>>
      %dma_wait3A_36 = tpu.memref_squeeze %dma_wait3A_35 : memref<1x125x80xi32, #tpu.memory_space<hbm>> -> memref<125x80xi32, #tpu.memory_space<hbm>>
      tpu.wait_dma2 semaphore(%run_scoped3A : memref<!tpu.dma_semaphore, #tpu.memory_space<semaphore_mem>>) src(%dma_wait3A_36 : memref<125x80xi32, #tpu.memory_space<hbm>>) dst(%arg4 : memref<125x80xi32, #tpu.memory_space<vmem>>)
      tpu.yield
    }) : () -> ()
    %scan3A_15 = arith.constant 0 : i32
    %scan3A_16 = arith.constant 125 : i32
    %scan3A_17 = arith.addi %scan3A_15, %scan3A_16 : i32
    %scan3A_18 = arith.constant 1 : i32
    scf.for %scan3A_23 = %scan3A_15 to %scan3A_17 step %scan3A_18  : i32 {
      %mul3A_24 = arith.constant 1 : i32
      %mul3A_25 = arith.muli %scan3A_23, %mul3A_24 : i32
      %add3A_26 = arith.constant 0 : i32
      %add3A_27 = arith.addi %add3A_26, %mul3A_25 : i32
      "tpu.region"() ({
        %run_scoped3A = tpu.sem_alloc : memref<!tpu.dma_semaphore, #tpu.memory_space<semaphore_mem>>
        %dma_start3A = arith.constant 0 : i32
        %dma_start3A_28 = tpu.memref_slice %arg4[%add3A_27, %dma_start3A] : memref<125x80xi32, #tpu.memory_space<vmem>> -> memref<1x80xi32, #tpu.memory_space<vmem>>
        %dma_start3A_29 = tpu.memref_squeeze %dma_start3A_28 : memref<1x80xi32, #tpu.memory_space<vmem>> -> memref<80xi32, #tpu.memory_space<vmem>>
        %dma_start3A_30 = arith.constant 0 : i32
        %dma_start3A_31 = tpu.memref_slice %arg7[%dma_start3A_30] : memref<10240xf32, #tpu.memory_space<vmem_shared>> -> memref<10240xf32, #tpu.memory_space<vmem_shared>>
        tpu.enqueue_indirect_dma source(%arg5 : memref<80xf32, #tpu.memory_space<vmem>>) target(%dma_start3A_31 : memref<10240xf32, #tpu.memory_space<vmem_shared>>) offsets(%dma_start3A_29 : memref<80xi32, #tpu.memory_space<vmem>>) semaphore(%run_scoped3A : memref<!tpu.dma_semaphore, #tpu.memory_space<semaphore_mem>>) {add = true}
        %dma_wait3A = arith.constant 0 : i32
        %dma_wait3A_32 = tpu.memref_slice %arg4[%add3A_27, %dma_wait3A] : memref<125x80xi32, #tpu.memory_space<vmem>> -> memref<1x80xi32, #tpu.memory_space<vmem>>
        %dma_wait3A_33 = tpu.memref_squeeze %dma_wait3A_32 : memref<1x80xi32, #tpu.memory_space<vmem>> -> memref<80xi32, #tpu.memory_space<vmem>>
        %dma_wait3A_34 = arith.constant 0 : i32
        %dma_wait3A_35 = tpu.memref_slice %arg7[%dma_wait3A_34] : memref<10240xf32, #tpu.memory_space<vmem_shared>> -> memref<10240xf32, #tpu.memory_space<vmem_shared>>
        tpu.wait_indirect_dma semaphore(%run_scoped3A : memref<!tpu.dma_semaphore, #tpu.memory_space<semaphore_mem>>) src(%arg5 : memref<80xf32, #tpu.memory_space<vmem>>) dst(%dma_wait3A_35 : memref<10240xf32, #tpu.memory_space<vmem_shared>>)
        tpu.yield
      }) : () -> ()
    }
    %scan3A_19 = arith.constant 125 : i32
    %barrier3A_20 = arith.constant 0 : index
    tpu.barrier barrier_id(%barrier3A_20)
    %mul3A_21 = arith.constant 640 : i32
    %mul3A_22 = arith.muli %arg1, %mul3A_21 : i32
    "tpu.region"() ({
      %run_scoped3A = tpu.sem_alloc : memref<!tpu.dma_semaphore, #tpu.memory_space<semaphore_mem>>
      %dma_start3A = tpu.memref_slice %arg3[%arg0, %mul3A_22] : memref<2x10240xf32, #tpu.memory_space<hbm>> -> memref<1x640xf32, #tpu.memory_space<hbm>>
      %dma_start3A_23 = tpu.memref_squeeze %dma_start3A : memref<1x640xf32, #tpu.memory_space<hbm>> -> memref<640xf32, #tpu.memory_space<hbm>>
      %dma_start3A_24 = tpu.memref_slice %arg7[%mul3A_22] : memref<10240xf32, #tpu.memory_space<vmem_shared>> -> memref<640xf32, #tpu.memory_space<vmem_shared>>
      tpu.enqueue_dma source(%dma_start3A_24 : memref<640xf32, #tpu.memory_space<vmem_shared>>) target(%dma_start3A_23 : memref<640xf32, #tpu.memory_space<hbm>>) target_semaphore(%run_scoped3A : memref<!tpu.dma_semaphore, #tpu.memory_space<semaphore_mem>>)
      %dma_wait3A = tpu.memref_slice %arg3[%arg0, %mul3A_22] : memref<2x10240xf32, #tpu.memory_space<hbm>> -> memref<1x640xf32, #tpu.memory_space<hbm>>
      %dma_wait3A_25 = tpu.memref_squeeze %dma_wait3A : memref<1x640xf32, #tpu.memory_space<hbm>> -> memref<640xf32, #tpu.memory_space<hbm>>
      %dma_wait3A_26 = tpu.memref_slice %arg7[%mul3A_22] : memref<10240xf32, #tpu.memory_space<vmem_shared>> -> memref<640xf32, #tpu.memory_space<vmem_shared>>
      tpu.wait_dma2 semaphore(%run_scoped3A : memref<!tpu.dma_semaphore, #tpu.memory_space<semaphore_mem>>) src(%dma_wait3A_26 : memref<640xf32, #tpu.memory_space<vmem_shared>>) dst(%dma_wait3A_25 : memref<640xf32, #tpu.memory_space<hbm>>)
      tpu.yield
    }) : () -> ()
    return
  }
}

#map = affine_map<(d0, d1) -> (0, 0)>
#map1 = affine_map<(d0, d1) -> (0, 0, 0)>
module attributes {stable_mosaic.version = 14 : i64} {
  func.func @agg(%arg0: i32, %arg1: i32, %arg2: memref<10000x128xf32, #tpu.memory_space<hbm>>, %arg3: memref<32x125x80xi32, #tpu.memory_space<hbm>>, %arg4: memref<32x125x80xi32, #tpu.memory_space<hbm>>, %arg5: memref<2x10112x128xf32, #tpu.memory_space<hbm>>, %arg6: memref<125x80xi32, #tpu.memory_space<vmem>>, %arg7: memref<125x80xi32, #tpu.memory_space<vmem>>, %arg8: memref<80x128xf32, #tpu.memory_space<vmem>>, %arg9: memref<10112x128xf32, #tpu.memory_space<vmem_shared>>, %arg10: memref<!tpu.dma_semaphore, #tpu.memory_space<semaphore_mem>>) attributes {dimension_semantics = [#tpu.dimension_semantics<core_parallel>, #tpu.dimension_semantics<subcore_parallel>], iteration_bounds = array<i64: 2, 16>, scalar_prefetch = 0 : i64, scratch_operands = 5 : i64, tpu.core_type = #tpu.core_type<sc_vector_subcore>, window_params = [{transform_indices = #map}, {transform_indices = #map1}, {transform_indices = #map1}, {transform_indices = #map1}]} {
    %mul3A = arith.constant 16 : i32
    %mul3A_0 = arith.muli %arg0, %mul3A : i32
    %add3A = arith.addi %mul3A_0, %arg1 : i32
    %broadcast_in_dim3A = arith.constant 0.000000e+00 : f32
    %broadcast_in_dim3A_1 = vector.broadcast %broadcast_in_dim3A : f32 to vector<16xf32>
    %scan3A = arith.constant 0 : i32
    %scan3A_2 = arith.constant 80 : i32
    %scan3A_3 = arith.addi %scan3A, %scan3A_2 : i32
    %scan3A_4 = arith.constant 1 : i32
    scf.for %scan3A_23 = %scan3A to %scan3A_3 step %scan3A_4  : i32 {
      %mul3A_24 = arith.constant 1 : i32
      %mul3A_25 = arith.muli %scan3A_23, %mul3A_24 : i32
      %add3A_26 = arith.constant 0 : i32
      %add3A_27 = arith.addi %add3A_26, %mul3A_25 : i32
      %swap3A = arith.index_cast %add3A_27 : i32 to index
      %swap3A_28 = arith.constant 0 : index
      %swap3A_29 = tpu.vector_load %arg8[%swap3A, %swap3A_28] {strides = array<i32>} : memref<80x128xf32, #tpu.memory_space<vmem>>, vector<1x16xf32>,
      %swap3A_30 = vector.shape_cast %swap3A_29 : vector<1x16xf32> to vector<16xf32>
      %swap3A_31 = vector.shape_cast %broadcast_in_dim3A_1 : vector<16xf32> to vector<1x16xf32>
      tpu.vector_store %arg8[%swap3A, %swap3A_28], %swap3A_31 {strides = array<i32>} : memref<80x128xf32, #tpu.memory_space<vmem>>, vector<1x16xf32>,
      %swap3A_32 = arith.index_cast %add3A_27 : i32 to index
      %swap3A_33 = arith.constant 16 : index
      %swap3A_34 = tpu.vector_load %arg8[%swap3A_32, %swap3A_33] {strides = array<i32>} : memref<80x128xf32, #tpu.memory_space<vmem>>, vector<1x16xf32>,
      %swap3A_35 = vector.shape_cast %swap3A_34 : vector<1x16xf32> to vector<16xf32>
      %swap3A_36 = vector.shape_cast %broadcast_in_dim3A_1 : vector<16xf32> to vector<1x16xf32>
      tpu.vector_store %arg8[%swap3A_32, %swap3A_33], %swap3A_36 {strides = array<i32>} : memref<80x128xf32, #tpu.memory_space<vmem>>, vector<1x16xf32>,
      %swap3A_37 = arith.index_cast %add3A_27 : i32 to index
      %swap3A_38 = arith.constant 32 : index
      %swap3A_39 = tpu.vector_load %arg8[%swap3A_37, %swap3A_38] {strides = array<i32>} : memref<80x128xf32, #tpu.memory_space<vmem>>, vector<1x16xf32>,
      %swap3A_40 = vector.shape_cast %swap3A_39 : vector<1x16xf32> to vector<16xf32>
      %swap3A_41 = vector.shape_cast %broadcast_in_dim3A_1 : vector<16xf32> to vector<1x16xf32>
      tpu.vector_store %arg8[%swap3A_37, %swap3A_38], %swap3A_41 {strides = array<i32>} : memref<80x128xf32, #tpu.memory_space<vmem>>, vector<1x16xf32>,
      %swap3A_42 = arith.index_cast %add3A_27 : i32 to index
      %swap3A_43 = arith.constant 48 : index
      %swap3A_44 = tpu.vector_load %arg8[%swap3A_42, %swap3A_43] {strides = array<i32>} : memref<80x128xf32, #tpu.memory_space<vmem>>, vector<1x16xf32>,
      %swap3A_45 = vector.shape_cast %swap3A_44 : vector<1x16xf32> to vector<16xf32>
      %swap3A_46 = vector.shape_cast %broadcast_in_dim3A_1 : vector<16xf32> to vector<1x16xf32>
      tpu.vector_store %arg8[%swap3A_42, %swap3A_43], %swap3A_46 {strides = array<i32>} : memref<80x128xf32, #tpu.memory_space<vmem>>, vector<1x16xf32>,
      %swap3A_47 = arith.index_cast %add3A_27 : i32 to index
      %swap3A_48 = arith.constant 64 : index
      %swap3A_49 = tpu.vector_load %arg8[%swap3A_47, %swap3A_48] {strides = array<i32>} : memref<80x128xf32, #tpu.memory_space<vmem>>, vector<1x16xf32>,
      %swap3A_50 = vector.shape_cast %swap3A_49 : vector<1x16xf32> to vector<16xf32>
      %swap3A_51 = vector.shape_cast %broadcast_in_dim3A_1 : vector<16xf32> to vector<1x16xf32>
      tpu.vector_store %arg8[%swap3A_47, %swap3A_48], %swap3A_51 {strides = array<i32>} : memref<80x128xf32, #tpu.memory_space<vmem>>, vector<1x16xf32>,
      %swap3A_52 = arith.index_cast %add3A_27 : i32 to index
      %swap3A_53 = arith.constant 80 : index
      %swap3A_54 = tpu.vector_load %arg8[%swap3A_52, %swap3A_53] {strides = array<i32>} : memref<80x128xf32, #tpu.memory_space<vmem>>, vector<1x16xf32>,
      %swap3A_55 = vector.shape_cast %swap3A_54 : vector<1x16xf32> to vector<16xf32>
      %swap3A_56 = vector.shape_cast %broadcast_in_dim3A_1 : vector<16xf32> to vector<1x16xf32>
      tpu.vector_store %arg8[%swap3A_52, %swap3A_53], %swap3A_56 {strides = array<i32>} : memref<80x128xf32, #tpu.memory_space<vmem>>, vector<1x16xf32>,
      %swap3A_57 = arith.index_cast %add3A_27 : i32 to index
      %swap3A_58 = arith.constant 96 : index
      %swap3A_59 = tpu.vector_load %arg8[%swap3A_57, %swap3A_58] {strides = array<i32>} : memref<80x128xf32, #tpu.memory_space<vmem>>, vector<1x16xf32>,
      %swap3A_60 = vector.shape_cast %swap3A_59 : vector<1x16xf32> to vector<16xf32>
      %swap3A_61 = vector.shape_cast %broadcast_in_dim3A_1 : vector<16xf32> to vector<1x16xf32>
      tpu.vector_store %arg8[%swap3A_57, %swap3A_58], %swap3A_61 {strides = array<i32>} : memref<80x128xf32, #tpu.memory_space<vmem>>, vector<1x16xf32>,
      %swap3A_62 = arith.index_cast %add3A_27 : i32 to index
      %swap3A_63 = arith.constant 112 : index
      %swap3A_64 = tpu.vector_load %arg8[%swap3A_62, %swap3A_63] {strides = array<i32>} : memref<80x128xf32, #tpu.memory_space<vmem>>, vector<1x16xf32>,
      %swap3A_65 = vector.shape_cast %swap3A_64 : vector<1x16xf32> to vector<16xf32>
      %swap3A_66 = vector.shape_cast %broadcast_in_dim3A_1 : vector<16xf32> to vector<1x16xf32>
      tpu.vector_store %arg8[%swap3A_62, %swap3A_63], %swap3A_66 {strides = array<i32>} : memref<80x128xf32, #tpu.memory_space<vmem>>, vector<1x16xf32>,
    }
    %scan3A_5 = arith.constant 80 : i32
    %scan3A_6 = arith.constant 0 : i32
    %scan3A_7 = arith.constant 7 : i32
    %scan3A_8 = arith.addi %scan3A_6, %scan3A_7 : i32
    %scan3A_9 = arith.constant 1 : i32
    scf.for %scan3A_23 = %scan3A_6 to %scan3A_8 step %scan3A_9  : i32 {
      %mul3A_24 = arith.constant 1 : i32
      %mul3A_25 = arith.muli %scan3A_23, %mul3A_24 : i32
      %add3A_26 = arith.constant 0 : i32
      %add3A_27 = arith.addi %add3A_26, %mul3A_25 : i32
      %mul3A_28 = arith.constant 632 : i32
      %mul3A_29 = arith.muli %arg1, %mul3A_28 : i32
      %mul3A_30 = arith.constant 80 : i32
      %mul3A_31 = arith.muli %add3A_27, %mul3A_30 : i32
      %add3A_32 = arith.addi %mul3A_29, %mul3A_31 : i32
      "tpu.region"() ({
        %run_scoped3A = tpu.sem_alloc : memref<!tpu.dma_semaphore, #tpu.memory_space<semaphore_mem>>
        %dma_start3A = arith.constant 0 : i32
        %dma_start3A_33 = tpu.memref_slice %arg9[%add3A_32, %dma_start3A] : memref<10112x128xf32, #tpu.memory_space<vmem_shared>> -> memref<80x128xf32, #tpu.memory_space<vmem_shared>>
        %dma_start3A_34 = arith.constant 0 : i32
        %dma_start3A_35 = tpu.memref_slice %arg9[%add3A_32, %dma_start3A_34] : memref<10112x128xf32, #tpu.memory_space<vmem_shared>> -> memref<80x128xf32, #tpu.memory_space<vmem_shared>>
        tpu.enqueue_dma source(%arg8 : memref<80x128xf32, #tpu.memory_space<vmem>>) target(%dma_start3A_35 : memref<80x128xf32, #tpu.memory_space<vmem_shared>>) target_semaphore(%run_scoped3A : memref<!tpu.dma_semaphore, #tpu.memory_space<semaphore_mem>>)
        %dma_wait3A = arith.constant 0 : i32
        %dma_wait3A_36 = tpu.memref_slice %arg9[%add3A_32, %dma_wait3A] : memref<10112x128xf32, #tpu.memory_space<vmem_shared>> -> memref<80x128xf32, #tpu.memory_space<vmem_shared>>
        %dma_wait3A_37 = arith.constant 0 : i32
        %dma_wait3A_38 = tpu.memref_slice %arg9[%add3A_32, %dma_wait3A_37] : memref<10112x128xf32, #tpu.memory_space<vmem_shared>> -> memref<80x128xf32, #tpu.memory_space<vmem_shared>>
        tpu.wait_dma2 semaphore(%run_scoped3A : memref<!tpu.dma_semaphore, #tpu.memory_space<semaphore_mem>>) src(%arg8 : memref<80x128xf32, #tpu.memory_space<vmem>>) dst(%dma_wait3A_38 : memref<80x128xf32, #tpu.memory_space<vmem_shared>>)
        tpu.yield
      }) : () -> ()
    }
    %scan3A_10 = arith.constant 7 : i32
    %mul3A_11 = arith.constant 632 : i32
    %mul3A_12 = arith.muli %arg1, %mul3A_11 : i32
    %add3A_13 = arith.constant 560 : i32
    %add3A_14 = arith.addi %mul3A_12, %add3A_13 : i32
    "tpu.region"() ({
      %run_scoped3A = tpu.sem_alloc : memref<!tpu.dma_semaphore, #tpu.memory_space<semaphore_mem>>
      %dma_start3A = arith.constant 0 : i32
      %dma_start3A_23 = arith.constant 0 : i32
      %dma_start3A_24 = tpu.memref_slice %arg8[%dma_start3A, %dma_start3A_23] : memref<80x128xf32, #tpu.memory_space<vmem>> -> memref<72x128xf32, #tpu.memory_space<vmem>>
      %dma_start3A_25 = arith.constant 0 : i32
      %dma_start3A_26 = tpu.memref_slice %arg9[%add3A_14, %dma_start3A_25] : memref<10112x128xf32, #tpu.memory_space<vmem_shared>> -> memref<72x128xf32, #tpu.memory_space<vmem_shared>>
      %dma_start3A_27 = arith.constant 0 : i32
      %dma_start3A_28 = tpu.memref_slice %arg9[%add3A_14, %dma_start3A_27] : memref<10112x128xf32, #tpu.memory_space<vmem_shared>> -> memref<72x128xf32, #tpu.memory_space<vmem_shared>>
      %dma_start3A_29 = arith.constant 0 : i32
      %dma_start3A_30 = arith.constant 0 : i32
      %dma_start3A_31 = tpu.memref_slice %arg8[%dma_start3A_29, %dma_start3A_30] : memref<80x128xf32, #tpu.memory_space<vmem>> -> memref<72x128xf32, #tpu.memory_space<vmem>>
      tpu.enqueue_dma source(%dma_start3A_31 : memref<72x128xf32, #tpu.memory_space<vmem>>) target(%dma_start3A_28 : memref<72x128xf32, #tpu.memory_space<vmem_shared>>) target_semaphore(%run_scoped3A : memref<!tpu.dma_semaphore, #tpu.memory_space<semaphore_mem>>)
      %dma_wait3A = arith.constant 0 : i32
      %dma_wait3A_32 = arith.constant 0 : i32
      %dma_wait3A_33 = tpu.memref_slice %arg8[%dma_wait3A, %dma_wait3A_32] : memref<80x128xf32, #tpu.memory_space<vmem>> -> memref<72x128xf32, #tpu.memory_space<vmem>>
      %dma_wait3A_34 = arith.constant 0 : i32
      %dma_wait3A_35 = tpu.memref_slice %arg9[%add3A_14, %dma_wait3A_34] : memref<10112x128xf32, #tpu.memory_space<vmem_shared>> -> memref<72x128xf32, #tpu.memory_space<vmem_shared>>
      %dma_wait3A_36 = arith.constant 0 : i32
      %dma_wait3A_37 = tpu.memref_slice %arg9[%add3A_14, %dma_wait3A_36] : memref<10112x128xf32, #tpu.memory_space<vmem_shared>> -> memref<72x128xf32, #tpu.memory_space<vmem_shared>>
      %dma_wait3A_38 = arith.constant 0 : i32
      %dma_wait3A_39 = arith.constant 0 : i32
      %dma_wait3A_40 = tpu.memref_slice %arg8[%dma_wait3A_38, %dma_wait3A_39] : memref<80x128xf32, #tpu.memory_space<vmem>> -> memref<72x128xf32, #tpu.memory_space<vmem>>
      tpu.wait_dma2 semaphore(%run_scoped3A : memref<!tpu.dma_semaphore, #tpu.memory_space<semaphore_mem>>) src(%dma_wait3A_40 : memref<72x128xf32, #tpu.memory_space<vmem>>) dst(%dma_wait3A_37 : memref<72x128xf32, #tpu.memory_space<vmem_shared>>)
      tpu.yield
    }) : () -> ()
    %barrier3A = arith.constant 0 : index
    tpu.barrier barrier_id(%barrier3A)
    "tpu.region"() ({
      %run_scoped3A = tpu.sem_alloc : memref<!tpu.dma_semaphore, #tpu.memory_space<semaphore_mem>>
      %dma_start3A = arith.constant 0 : i32
      %dma_start3A_23 = arith.constant 0 : i32
      %dma_start3A_24 = tpu.memref_slice %arg3[%add3A, %dma_start3A, %dma_start3A_23] : memref<32x125x80xi32, #tpu.memory_space<hbm>> -> memref<1x125x80xi32, #tpu.memory_space<hbm>>
      %dma_start3A_25 = tpu.memref_squeeze %dma_start3A_24 : memref<1x125x80xi32, #tpu.memory_space<hbm>> -> memref<125x80xi32, #tpu.memory_space<hbm>>
      %dma_start3A_26 = arith.constant 0 : i32
      %dma_start3A_27 = arith.constant 0 : i32
      %dma_start3A_28 = tpu.memref_slice %arg3[%add3A, %dma_start3A_26, %dma_start3A_27] : memref<32x125x80xi32, #tpu.memory_space<hbm>> -> memref<1x125x80xi32, #tpu.memory_space<hbm>>
      %dma_start3A_29 = tpu.memref_squeeze %dma_start3A_28 : memref<1x125x80xi32, #tpu.memory_space<hbm>> -> memref<125x80xi32, #tpu.memory_space<hbm>>
      tpu.enqueue_dma source(%dma_start3A_29 : memref<125x80xi32, #tpu.memory_space<hbm>>) target(%arg6 : memref<125x80xi32, #tpu.memory_space<vmem>>) target_semaphore(%run_scoped3A : memref<!tpu.dma_semaphore, #tpu.memory_space<semaphore_mem>>)
      %dma_wait3A = arith.constant 0 : i32
      %dma_wait3A_30 = arith.constant 0 : i32
      %dma_wait3A_31 = tpu.memref_slice %arg3[%add3A, %dma_wait3A, %dma_wait3A_30] : memref<32x125x80xi32, #tpu.memory_space<hbm>> -> memref<1x125x80xi32, #tpu.memory_space<hbm>>
      %dma_wait3A_32 = tpu.memref_squeeze %dma_wait3A_31 : memref<1x125x80xi32, #tpu.memory_space<hbm>> -> memref<125x80xi32, #tpu.memory_space<hbm>>
      %dma_wait3A_33 = arith.constant 0 : i32
      %dma_wait3A_34 = arith.constant 0 : i32
      %dma_wait3A_35 = tpu.memref_slice %arg3[%add3A, %dma_wait3A_33, %dma_wait3A_34] : memref<32x125x80xi32, #tpu.memory_space<hbm>> -> memref<1x125x80xi32, #tpu.memory_space<hbm>>
      %dma_wait3A_36 = tpu.memref_squeeze %dma_wait3A_35 : memref<1x125x80xi32, #tpu.memory_space<hbm>> -> memref<125x80xi32, #tpu.memory_space<hbm>>
      tpu.wait_dma2 semaphore(%run_scoped3A : memref<!tpu.dma_semaphore, #tpu.memory_space<semaphore_mem>>) src(%dma_wait3A_36 : memref<125x80xi32, #tpu.memory_space<hbm>>) dst(%arg6 : memref<125x80xi32, #tpu.memory_space<vmem>>)
      tpu.yield
    }) : () -> ()
    "tpu.region"() ({
      %run_scoped3A = tpu.sem_alloc : memref<!tpu.dma_semaphore, #tpu.memory_space<semaphore_mem>>
      %dma_start3A = arith.constant 0 : i32
      %dma_start3A_23 = arith.constant 0 : i32
      %dma_start3A_24 = tpu.memref_slice %arg4[%add3A, %dma_start3A, %dma_start3A_23] : memref<32x125x80xi32, #tpu.memory_space<hbm>> -> memref<1x125x80xi32, #tpu.memory_space<hbm>>
      %dma_start3A_25 = tpu.memref_squeeze %dma_start3A_24 : memref<1x125x80xi32, #tpu.memory_space<hbm>> -> memref<125x80xi32, #tpu.memory_space<hbm>>
      %dma_start3A_26 = arith.constant 0 : i32
      %dma_start3A_27 = arith.constant 0 : i32
      %dma_start3A_28 = tpu.memref_slice %arg4[%add3A, %dma_start3A_26, %dma_start3A_27] : memref<32x125x80xi32, #tpu.memory_space<hbm>> -> memref<1x125x80xi32, #tpu.memory_space<hbm>>
      %dma_start3A_29 = tpu.memref_squeeze %dma_start3A_28 : memref<1x125x80xi32, #tpu.memory_space<hbm>> -> memref<125x80xi32, #tpu.memory_space<hbm>>
      tpu.enqueue_dma source(%dma_start3A_29 : memref<125x80xi32, #tpu.memory_space<hbm>>) target(%arg7 : memref<125x80xi32, #tpu.memory_space<vmem>>) target_semaphore(%run_scoped3A : memref<!tpu.dma_semaphore, #tpu.memory_space<semaphore_mem>>)
      %dma_wait3A = arith.constant 0 : i32
      %dma_wait3A_30 = arith.constant 0 : i32
      %dma_wait3A_31 = tpu.memref_slice %arg4[%add3A, %dma_wait3A, %dma_wait3A_30] : memref<32x125x80xi32, #tpu.memory_space<hbm>> -> memref<1x125x80xi32, #tpu.memory_space<hbm>>
      %dma_wait3A_32 = tpu.memref_squeeze %dma_wait3A_31 : memref<1x125x80xi32, #tpu.memory_space<hbm>> -> memref<125x80xi32, #tpu.memory_space<hbm>>
      %dma_wait3A_33 = arith.constant 0 : i32
      %dma_wait3A_34 = arith.constant 0 : i32
      %dma_wait3A_35 = tpu.memref_slice %arg4[%add3A, %dma_wait3A_33, %dma_wait3A_34] : memref<32x125x80xi32, #tpu.memory_space<hbm>> -> memref<1x125x80xi32, #tpu.memory_space<hbm>>
      %dma_wait3A_36 = tpu.memref_squeeze %dma_wait3A_35 : memref<1x125x80xi32, #tpu.memory_space<hbm>> -> memref<125x80xi32, #tpu.memory_space<hbm>>
      tpu.wait_dma2 semaphore(%run_scoped3A : memref<!tpu.dma_semaphore, #tpu.memory_space<semaphore_mem>>) src(%dma_wait3A_36 : memref<125x80xi32, #tpu.memory_space<hbm>>) dst(%arg7 : memref<125x80xi32, #tpu.memory_space<vmem>>)
      tpu.yield
    }) : () -> ()
    %scan3A_15 = arith.constant 0 : i32
    %scan3A_16 = arith.constant 125 : i32
    %scan3A_17 = arith.addi %scan3A_15, %scan3A_16 : i32
    %scan3A_18 = arith.constant 1 : i32
    scf.for %scan3A_23 = %scan3A_15 to %scan3A_17 step %scan3A_18  : i32 {
      %mul3A_24 = arith.constant 1 : i32
      %mul3A_25 = arith.muli %scan3A_23, %mul3A_24 : i32
      %add3A_26 = arith.constant 0 : i32
      %add3A_27 = arith.addi %add3A_26, %mul3A_25 : i32
      %dma_start3A = arith.constant 0 : i32
      %dma_start3A_28 = tpu.memref_slice %arg6[%add3A_27, %dma_start3A] : memref<125x80xi32, #tpu.memory_space<vmem>> -> memref<1x80xi32, #tpu.memory_space<vmem>>
      %dma_start3A_29 = tpu.memref_squeeze %dma_start3A_28 : memref<1x80xi32, #tpu.memory_space<vmem>> -> memref<80xi32, #tpu.memory_space<vmem>>
      %dma_start3A_30 = arith.constant 0 : i32
      %dma_start3A_31 = arith.constant 0 : i32
      %dma_start3A_32 = tpu.memref_slice %arg2[%dma_start3A_30, %dma_start3A_31] : memref<10000x128xf32, #tpu.memory_space<hbm>> -> memref<10000x128xf32, #tpu.memory_space<hbm>>
      tpu.enqueue_indirect_dma source(%dma_start3A_32 : memref<10000x128xf32, #tpu.memory_space<hbm>>) target(%arg8 : memref<80x128xf32, #tpu.memory_space<vmem>>) offsets(%dma_start3A_29 : memref<80xi32, #tpu.memory_space<vmem>>) semaphore(%arg10 : memref<!tpu.dma_semaphore, #tpu.memory_space<semaphore_mem>>)
      %dma_wait3A = arith.constant 0 : i32
      %dma_wait3A_33 = tpu.memref_slice %arg6[%add3A_27, %dma_wait3A] : memref<125x80xi32, #tpu.memory_space<vmem>> -> memref<1x80xi32, #tpu.memory_space<vmem>>
      %dma_wait3A_34 = tpu.memref_squeeze %dma_wait3A_33 : memref<1x80xi32, #tpu.memory_space<vmem>> -> memref<80xi32, #tpu.memory_space<vmem>>
      %dma_wait3A_35 = arith.constant 0 : i32
      %dma_wait3A_36 = arith.constant 0 : i32
      %dma_wait3A_37 = tpu.memref_slice %arg2[%dma_wait3A_35, %dma_wait3A_36] : memref<10000x128xf32, #tpu.memory_space<hbm>> -> memref<10000x128xf32, #tpu.memory_space<hbm>>
      tpu.wait_indirect_dma semaphore(%arg10 : memref<!tpu.dma_semaphore, #tpu.memory_space<semaphore_mem>>) src(%dma_wait3A_37 : memref<10000x128xf32, #tpu.memory_space<hbm>>) dst(%arg8 : memref<80x128xf32, #tpu.memory_space<vmem>>)
      "tpu.region"() ({
        %run_scoped3A = tpu.sem_alloc : memref<!tpu.dma_semaphore, #tpu.memory_space<semaphore_mem>>
        %dma_start3A_38 = arith.constant 0 : i32
        %dma_start3A_39 = tpu.memref_slice %arg7[%add3A_27, %dma_start3A_38] : memref<125x80xi32, #tpu.memory_space<vmem>> -> memref<1x80xi32, #tpu.memory_space<vmem>>
        %dma_start3A_40 = tpu.memref_squeeze %dma_start3A_39 : memref<1x80xi32, #tpu.memory_space<vmem>> -> memref<80xi32, #tpu.memory_space<vmem>>
        %dma_start3A_41 = arith.constant 0 : i32
        %dma_start3A_42 = arith.constant 0 : i32
        %dma_start3A_43 = tpu.memref_slice %arg9[%dma_start3A_41, %dma_start3A_42] : memref<10112x128xf32, #tpu.memory_space<vmem_shared>> -> memref<10112x128xf32, #tpu.memory_space<vmem_shared>>
        tpu.enqueue_indirect_dma source(%arg8 : memref<80x128xf32, #tpu.memory_space<vmem>>) target(%dma_start3A_43 : memref<10112x128xf32, #tpu.memory_space<vmem_shared>>) offsets(%dma_start3A_40 : memref<80xi32, #tpu.memory_space<vmem>>) semaphore(%run_scoped3A : memref<!tpu.dma_semaphore, #tpu.memory_space<semaphore_mem>>) {add = true}
        %dma_wait3A_44 = arith.constant 0 : i32
        %dma_wait3A_45 = tpu.memref_slice %arg7[%add3A_27, %dma_wait3A_44] : memref<125x80xi32, #tpu.memory_space<vmem>> -> memref<1x80xi32, #tpu.memory_space<vmem>>
        %dma_wait3A_46 = tpu.memref_squeeze %dma_wait3A_45 : memref<1x80xi32, #tpu.memory_space<vmem>> -> memref<80xi32, #tpu.memory_space<vmem>>
        %dma_wait3A_47 = arith.constant 0 : i32
        %dma_wait3A_48 = arith.constant 0 : i32
        %dma_wait3A_49 = tpu.memref_slice %arg9[%dma_wait3A_47, %dma_wait3A_48] : memref<10112x128xf32, #tpu.memory_space<vmem_shared>> -> memref<10112x128xf32, #tpu.memory_space<vmem_shared>>
        tpu.wait_indirect_dma semaphore(%run_scoped3A : memref<!tpu.dma_semaphore, #tpu.memory_space<semaphore_mem>>) src(%arg8 : memref<80x128xf32, #tpu.memory_space<vmem>>) dst(%dma_wait3A_49 : memref<10112x128xf32, #tpu.memory_space<vmem_shared>>)
        tpu.yield
      }) : () -> ()
    }
    %scan3A_19 = arith.constant 125 : i32
    %barrier3A_20 = arith.constant 0 : index
    tpu.barrier barrier_id(%barrier3A_20)
    %mul3A_21 = arith.constant 632 : i32
    %mul3A_22 = arith.muli %arg1, %mul3A_21 : i32
    "tpu.region"() ({
      %run_scoped3A = tpu.sem_alloc : memref<!tpu.dma_semaphore, #tpu.memory_space<semaphore_mem>>
      %dma_start3A = arith.constant 0 : i32
      %dma_start3A_23 = tpu.memref_slice %arg5[%arg0, %mul3A_22, %dma_start3A] : memref<2x10112x128xf32, #tpu.memory_space<hbm>> -> memref<1x632x128xf32, #tpu.memory_space<hbm>>
      %dma_start3A_24 = tpu.memref_squeeze %dma_start3A_23 : memref<1x632x128xf32, #tpu.memory_space<hbm>> -> memref<632x128xf32, #tpu.memory_space<hbm>>
      %dma_start3A_25 = arith.constant 0 : i32
      %dma_start3A_26 = tpu.memref_slice %arg9[%mul3A_22, %dma_start3A_25] : memref<10112x128xf32, #tpu.memory_space<vmem_shared>> -> memref<632x128xf32, #tpu.memory_space<vmem_shared>>
      tpu.enqueue_dma source(%dma_start3A_26 : memref<632x128xf32, #tpu.memory_space<vmem_shared>>) target(%dma_start3A_24 : memref<632x128xf32, #tpu.memory_space<hbm>>) target_semaphore(%run_scoped3A : memref<!tpu.dma_semaphore, #tpu.memory_space<semaphore_mem>>)
      %dma_wait3A = arith.constant 0 : i32
      %dma_wait3A_27 = tpu.memref_slice %arg5[%arg0, %mul3A_22, %dma_wait3A] : memref<2x10112x128xf32, #tpu.memory_space<hbm>> -> memref<1x632x128xf32, #tpu.memory_space<hbm>>
      %dma_wait3A_28 = tpu.memref_squeeze %dma_wait3A_27 : memref<1x632x128xf32, #tpu.memory_space<hbm>> -> memref<632x128xf32, #tpu.memory_space<hbm>>
      %dma_wait3A_29 = arith.constant 0 : i32
      %dma_wait3A_30 = tpu.memref_slice %arg9[%mul3A_22, %dma_wait3A_29] : memref<10112x128xf32, #tpu.memory_space<vmem_shared>> -> memref<632x128xf32, #tpu.memory_space<vmem_shared>>
      tpu.wait_dma2 semaphore(%run_scoped3A : memref<!tpu.dma_semaphore, #tpu.memory_space<semaphore_mem>>) src(%dma_wait3A_30 : memref<632x128xf32, #tpu.memory_space<vmem_shared>>) dst(%dma_wait3A_28 : memref<632x128xf32, #tpu.memory_space<hbm>>)
      tpu.yield
    }) : () -> ()
    return
  }
}

#map = affine_map<(d0, d1) -> (0, 0)>
#map1 = affine_map<(d0, d1) -> (0, 0, 0)>
module attributes {stable_mosaic.version = 14 : i64} {
  func.func @agg(%arg0: i32, %arg1: i32, %arg2: memref<10000x128xf32, #tpu.memory_space<hbm>>, %arg3: memref<32x125x80xi32, #tpu.memory_space<hbm>>, %arg4: memref<32x125x80xi32, #tpu.memory_space<hbm>>, %arg5: memref<2x10112x128xf32, #tpu.memory_space<hbm>>, %arg6: memref<125x80xi32, #tpu.memory_space<vmem>>, %arg7: memref<125x80xi32, #tpu.memory_space<vmem>>, %arg8: memref<80x128xf32, #tpu.memory_space<vmem>>, %arg9: memref<10112x128xf32, #tpu.memory_space<vmem_shared>>, %arg10: memref<!tpu.dma_semaphore, #tpu.memory_space<semaphore_mem>>) attributes {dimension_semantics = [#tpu.dimension_semantics<core_parallel>, #tpu.dimension_semantics<subcore_parallel>], iteration_bounds = array<i64: 2, 16>, scalar_prefetch = 0 : i64, scratch_operands = 5 : i64, tpu.core_type = #tpu.core_type<sc_vector_subcore>, window_params = [{transform_indices = #map}, {transform_indices = #map1}, {transform_indices = #map1}, {transform_indices = #map1}]} {
    %mul3A = arith.constant 16 : i32
    %mul3A_0 = arith.muli %arg0, %mul3A : i32
    %add3A = arith.addi %mul3A_0, %arg1 : i32
    %broadcast_in_dim3A = arith.constant 0.000000e+00 : f32
    %broadcast_in_dim3A_1 = vector.broadcast %broadcast_in_dim3A : f32 to vector<16xf32>
    %scan3A = arith.constant 0 : i32
    %scan3A_2 = arith.constant 80 : i32
    %scan3A_3 = arith.addi %scan3A, %scan3A_2 : i32
    %scan3A_4 = arith.constant 1 : i32
    scf.for %scan3A_23 = %scan3A to %scan3A_3 step %scan3A_4  : i32 {
      %mul3A_24 = arith.constant 1 : i32
      %mul3A_25 = arith.muli %scan3A_23, %mul3A_24 : i32
      %add3A_26 = arith.constant 0 : i32
      %add3A_27 = arith.addi %add3A_26, %mul3A_25 : i32
      %swap3A = arith.index_cast %add3A_27 : i32 to index
      %swap3A_28 = arith.constant 0 : index
      %swap3A_29 = tpu.vector_load %arg8[%swap3A, %swap3A_28] {strides = array<i32>} : memref<80x128xf32, #tpu.memory_space<vmem>>, vector<1x16xf32>,
      %swap3A_30 = vector.shape_cast %swap3A_29 : vector<1x16xf32> to vector<16xf32>
      %swap3A_31 = vector.shape_cast %broadcast_in_dim3A_1 : vector<16xf32> to vector<1x16xf32>
      tpu.vector_store %arg8[%swap3A, %swap3A_28], %swap3A_31 {strides = array<i32>} : memref<80x128xf32, #tpu.memory_space<vmem>>, vector<1x16xf32>,
      %swap3A_32 = arith.index_cast %add3A_27 : i32 to index
      %swap3A_33 = arith.constant 16 : index
      %swap3A_34 = tpu.vector_load %arg8[%swap3A_32, %swap3A_33] {strides = array<i32>} : memref<80x128xf32, #tpu.memory_space<vmem>>, vector<1x16xf32>,
      %swap3A_35 = vector.shape_cast %swap3A_34 : vector<1x16xf32> to vector<16xf32>
      %swap3A_36 = vector.shape_cast %broadcast_in_dim3A_1 : vector<16xf32> to vector<1x16xf32>
      tpu.vector_store %arg8[%swap3A_32, %swap3A_33], %swap3A_36 {strides = array<i32>} : memref<80x128xf32, #tpu.memory_space<vmem>>, vector<1x16xf32>,
      %swap3A_37 = arith.index_cast %add3A_27 : i32 to index
      %swap3A_38 = arith.constant 32 : index
      %swap3A_39 = tpu.vector_load %arg8[%swap3A_37, %swap3A_38] {strides = array<i32>} : memref<80x128xf32, #tpu.memory_space<vmem>>, vector<1x16xf32>,
      %swap3A_40 = vector.shape_cast %swap3A_39 : vector<1x16xf32> to vector<16xf32>
      %swap3A_41 = vector.shape_cast %broadcast_in_dim3A_1 : vector<16xf32> to vector<1x16xf32>
      tpu.vector_store %arg8[%swap3A_37, %swap3A_38], %swap3A_41 {strides = array<i32>} : memref<80x128xf32, #tpu.memory_space<vmem>>, vector<1x16xf32>,
      %swap3A_42 = arith.index_cast %add3A_27 : i32 to index
      %swap3A_43 = arith.constant 48 : index
      %swap3A_44 = tpu.vector_load %arg8[%swap3A_42, %swap3A_43] {strides = array<i32>} : memref<80x128xf32, #tpu.memory_space<vmem>>, vector<1x16xf32>,
      %swap3A_45 = vector.shape_cast %swap3A_44 : vector<1x16xf32> to vector<16xf32>
      %swap3A_46 = vector.shape_cast %broadcast_in_dim3A_1 : vector<16xf32> to vector<1x16xf32>
      tpu.vector_store %arg8[%swap3A_42, %swap3A_43], %swap3A_46 {strides = array<i32>} : memref<80x128xf32, #tpu.memory_space<vmem>>, vector<1x16xf32>,
      %swap3A_47 = arith.index_cast %add3A_27 : i32 to index
      %swap3A_48 = arith.constant 64 : index
      %swap3A_49 = tpu.vector_load %arg8[%swap3A_47, %swap3A_48] {strides = array<i32>} : memref<80x128xf32, #tpu.memory_space<vmem>>, vector<1x16xf32>,
      %swap3A_50 = vector.shape_cast %swap3A_49 : vector<1x16xf32> to vector<16xf32>
      %swap3A_51 = vector.shape_cast %broadcast_in_dim3A_1 : vector<16xf32> to vector<1x16xf32>
      tpu.vector_store %arg8[%swap3A_47, %swap3A_48], %swap3A_51 {strides = array<i32>} : memref<80x128xf32, #tpu.memory_space<vmem>>, vector<1x16xf32>,
      %swap3A_52 = arith.index_cast %add3A_27 : i32 to index
      %swap3A_53 = arith.constant 80 : index
      %swap3A_54 = tpu.vector_load %arg8[%swap3A_52, %swap3A_53] {strides = array<i32>} : memref<80x128xf32, #tpu.memory_space<vmem>>, vector<1x16xf32>,
      %swap3A_55 = vector.shape_cast %swap3A_54 : vector<1x16xf32> to vector<16xf32>
      %swap3A_56 = vector.shape_cast %broadcast_in_dim3A_1 : vector<16xf32> to vector<1x16xf32>
      tpu.vector_store %arg8[%swap3A_52, %swap3A_53], %swap3A_56 {strides = array<i32>} : memref<80x128xf32, #tpu.memory_space<vmem>>, vector<1x16xf32>,
      %swap3A_57 = arith.index_cast %add3A_27 : i32 to index
      %swap3A_58 = arith.constant 96 : index
      %swap3A_59 = tpu.vector_load %arg8[%swap3A_57, %swap3A_58] {strides = array<i32>} : memref<80x128xf32, #tpu.memory_space<vmem>>, vector<1x16xf32>,
      %swap3A_60 = vector.shape_cast %swap3A_59 : vector<1x16xf32> to vector<16xf32>
      %swap3A_61 = vector.shape_cast %broadcast_in_dim3A_1 : vector<16xf32> to vector<1x16xf32>
      tpu.vector_store %arg8[%swap3A_57, %swap3A_58], %swap3A_61 {strides = array<i32>} : memref<80x128xf32, #tpu.memory_space<vmem>>, vector<1x16xf32>,
      %swap3A_62 = arith.index_cast %add3A_27 : i32 to index
      %swap3A_63 = arith.constant 112 : index
      %swap3A_64 = tpu.vector_load %arg8[%swap3A_62, %swap3A_63] {strides = array<i32>} : memref<80x128xf32, #tpu.memory_space<vmem>>, vector<1x16xf32>,
      %swap3A_65 = vector.shape_cast %swap3A_64 : vector<1x16xf32> to vector<16xf32>
      %swap3A_66 = vector.shape_cast %broadcast_in_dim3A_1 : vector<16xf32> to vector<1x16xf32>
      tpu.vector_store %arg8[%swap3A_62, %swap3A_63], %swap3A_66 {strides = array<i32>} : memref<80x128xf32, #tpu.memory_space<vmem>>, vector<1x16xf32>,
    }
    %scan3A_5 = arith.constant 80 : i32
    %scan3A_6 = arith.constant 0 : i32
    %scan3A_7 = arith.constant 7 : i32
    %scan3A_8 = arith.addi %scan3A_6, %scan3A_7 : i32
    %scan3A_9 = arith.constant 1 : i32
    scf.for %scan3A_23 = %scan3A_6 to %scan3A_8 step %scan3A_9  : i32 {
      %mul3A_24 = arith.constant 1 : i32
      %mul3A_25 = arith.muli %scan3A_23, %mul3A_24 : i32
      %add3A_26 = arith.constant 0 : i32
      %add3A_27 = arith.addi %add3A_26, %mul3A_25 : i32
      %mul3A_28 = arith.constant 632 : i32
      %mul3A_29 = arith.muli %arg1, %mul3A_28 : i32
      %mul3A_30 = arith.constant 80 : i32
      %mul3A_31 = arith.muli %add3A_27, %mul3A_30 : i32
      %add3A_32 = arith.addi %mul3A_29, %mul3A_31 : i32
      "tpu.region"() ({
        %run_scoped3A = tpu.sem_alloc : memref<!tpu.dma_semaphore, #tpu.memory_space<semaphore_mem>>
        %dma_start3A = arith.constant 0 : i32
        %dma_start3A_33 = tpu.memref_slice %arg9[%add3A_32, %dma_start3A] : memref<10112x128xf32, #tpu.memory_space<vmem_shared>> -> memref<80x128xf32, #tpu.memory_space<vmem_shared>>
        %dma_start3A_34 = arith.constant 0 : i32
        %dma_start3A_35 = tpu.memref_slice %arg9[%add3A_32, %dma_start3A_34] : memref<10112x128xf32, #tpu.memory_space<vmem_shared>> -> memref<80x128xf32, #tpu.memory_space<vmem_shared>>
        tpu.enqueue_dma source(%arg8 : memref<80x128xf32, #tpu.memory_space<vmem>>) target(%dma_start3A_35 : memref<80x128xf32, #tpu.memory_space<vmem_shared>>) target_semaphore(%run_scoped3A : memref<!tpu.dma_semaphore, #tpu.memory_space<semaphore_mem>>)
        %dma_wait3A = arith.constant 0 : i32
        %dma_wait3A_36 = tpu.memref_slice %arg9[%add3A_32, %dma_wait3A] : memref<10112x128xf32, #tpu.memory_space<vmem_shared>> -> memref<80x128xf32, #tpu.memory_space<vmem_shared>>
        %dma_wait3A_37 = arith.constant 0 : i32
        %dma_wait3A_38 = tpu.memref_slice %arg9[%add3A_32, %dma_wait3A_37] : memref<10112x128xf32, #tpu.memory_space<vmem_shared>> -> memref<80x128xf32, #tpu.memory_space<vmem_shared>>
        tpu.wait_dma2 semaphore(%run_scoped3A : memref<!tpu.dma_semaphore, #tpu.memory_space<semaphore_mem>>) src(%arg8 : memref<80x128xf32, #tpu.memory_space<vmem>>) dst(%dma_wait3A_38 : memref<80x128xf32, #tpu.memory_space<vmem_shared>>)
        tpu.yield
      }) : () -> ()
    }
    %scan3A_10 = arith.constant 7 : i32
    %mul3A_11 = arith.constant 632 : i32
    %mul3A_12 = arith.muli %arg1, %mul3A_11 : i32
    %add3A_13 = arith.constant 560 : i32
    %add3A_14 = arith.addi %mul3A_12, %add3A_13 : i32
    "tpu.region"() ({
      %run_scoped3A = tpu.sem_alloc : memref<!tpu.dma_semaphore, #tpu.memory_space<semaphore_mem>>
      %dma_start3A = arith.constant 0 : i32
      %dma_start3A_23 = arith.constant 0 : i32
      %dma_start3A_24 = tpu.memref_slice %arg8[%dma_start3A, %dma_start3A_23] : memref<80x128xf32, #tpu.memory_space<vmem>> -> memref<72x128xf32, #tpu.memory_space<vmem>>
      %dma_start3A_25 = arith.constant 0 : i32
      %dma_start3A_26 = tpu.memref_slice %arg9[%add3A_14, %dma_start3A_25] : memref<10112x128xf32, #tpu.memory_space<vmem_shared>> -> memref<72x128xf32, #tpu.memory_space<vmem_shared>>
      %dma_start3A_27 = arith.constant 0 : i32
      %dma_start3A_28 = tpu.memref_slice %arg9[%add3A_14, %dma_start3A_27] : memref<10112x128xf32, #tpu.memory_space<vmem_shared>> -> memref<72x128xf32, #tpu.memory_space<vmem_shared>>
      %dma_start3A_29 = arith.constant 0 : i32
      %dma_start3A_30 = arith.constant 0 : i32
      %dma_start3A_31 = tpu.memref_slice %arg8[%dma_start3A_29, %dma_start3A_30] : memref<80x128xf32, #tpu.memory_space<vmem>> -> memref<72x128xf32, #tpu.memory_space<vmem>>
      tpu.enqueue_dma source(%dma_start3A_31 : memref<72x128xf32, #tpu.memory_space<vmem>>) target(%dma_start3A_28 : memref<72x128xf32, #tpu.memory_space<vmem_shared>>) target_semaphore(%run_scoped3A : memref<!tpu.dma_semaphore, #tpu.memory_space<semaphore_mem>>)
      %dma_wait3A = arith.constant 0 : i32
      %dma_wait3A_32 = arith.constant 0 : i32
      %dma_wait3A_33 = tpu.memref_slice %arg8[%dma_wait3A, %dma_wait3A_32] : memref<80x128xf32, #tpu.memory_space<vmem>> -> memref<72x128xf32, #tpu.memory_space<vmem>>
      %dma_wait3A_34 = arith.constant 0 : i32
      %dma_wait3A_35 = tpu.memref_slice %arg9[%add3A_14, %dma_wait3A_34] : memref<10112x128xf32, #tpu.memory_space<vmem_shared>> -> memref<72x128xf32, #tpu.memory_space<vmem_shared>>
      %dma_wait3A_36 = arith.constant 0 : i32
      %dma_wait3A_37 = tpu.memref_slice %arg9[%add3A_14, %dma_wait3A_36] : memref<10112x128xf32, #tpu.memory_space<vmem_shared>> -> memref<72x128xf32, #tpu.memory_space<vmem_shared>>
      %dma_wait3A_38 = arith.constant 0 : i32
      %dma_wait3A_39 = arith.constant 0 : i32
      %dma_wait3A_40 = tpu.memref_slice %arg8[%dma_wait3A_38, %dma_wait3A_39] : memref<80x128xf32, #tpu.memory_space<vmem>> -> memref<72x128xf32, #tpu.memory_space<vmem>>
      tpu.wait_dma2 semaphore(%run_scoped3A : memref<!tpu.dma_semaphore, #tpu.memory_space<semaphore_mem>>) src(%dma_wait3A_40 : memref<72x128xf32, #tpu.memory_space<vmem>>) dst(%dma_wait3A_37 : memref<72x128xf32, #tpu.memory_space<vmem_shared>>)
      tpu.yield
    }) : () -> ()
    %barrier3A = arith.constant 0 : index
    tpu.barrier barrier_id(%barrier3A)
    "tpu.region"() ({
      %run_scoped3A = tpu.sem_alloc : memref<!tpu.dma_semaphore, #tpu.memory_space<semaphore_mem>>
      %dma_start3A = arith.constant 0 : i32
      %dma_start3A_23 = arith.constant 0 : i32
      %dma_start3A_24 = tpu.memref_slice %arg3[%add3A, %dma_start3A, %dma_start3A_23] : memref<32x125x80xi32, #tpu.memory_space<hbm>> -> memref<1x125x80xi32, #tpu.memory_space<hbm>>
      %dma_start3A_25 = tpu.memref_squeeze %dma_start3A_24 : memref<1x125x80xi32, #tpu.memory_space<hbm>> -> memref<125x80xi32, #tpu.memory_space<hbm>>
      %dma_start3A_26 = arith.constant 0 : i32
      %dma_start3A_27 = arith.constant 0 : i32
      %dma_start3A_28 = tpu.memref_slice %arg3[%add3A, %dma_start3A_26, %dma_start3A_27] : memref<32x125x80xi32, #tpu.memory_space<hbm>> -> memref<1x125x80xi32, #tpu.memory_space<hbm>>
      %dma_start3A_29 = tpu.memref_squeeze %dma_start3A_28 : memref<1x125x80xi32, #tpu.memory_space<hbm>> -> memref<125x80xi32, #tpu.memory_space<hbm>>
      tpu.enqueue_dma source(%dma_start3A_29 : memref<125x80xi32, #tpu.memory_space<hbm>>) target(%arg6 : memref<125x80xi32, #tpu.memory_space<vmem>>) target_semaphore(%run_scoped3A : memref<!tpu.dma_semaphore, #tpu.memory_space<semaphore_mem>>)
      %dma_wait3A = arith.constant 0 : i32
      %dma_wait3A_30 = arith.constant 0 : i32
      %dma_wait3A_31 = tpu.memref_slice %arg3[%add3A, %dma_wait3A, %dma_wait3A_30] : memref<32x125x80xi32, #tpu.memory_space<hbm>> -> memref<1x125x80xi32, #tpu.memory_space<hbm>>
      %dma_wait3A_32 = tpu.memref_squeeze %dma_wait3A_31 : memref<1x125x80xi32, #tpu.memory_space<hbm>> -> memref<125x80xi32, #tpu.memory_space<hbm>>
      %dma_wait3A_33 = arith.constant 0 : i32
      %dma_wait3A_34 = arith.constant 0 : i32
      %dma_wait3A_35 = tpu.memref_slice %arg3[%add3A, %dma_wait3A_33, %dma_wait3A_34] : memref<32x125x80xi32, #tpu.memory_space<hbm>> -> memref<1x125x80xi32, #tpu.memory_space<hbm>>
      %dma_wait3A_36 = tpu.memref_squeeze %dma_wait3A_35 : memref<1x125x80xi32, #tpu.memory_space<hbm>> -> memref<125x80xi32, #tpu.memory_space<hbm>>
      tpu.wait_dma2 semaphore(%run_scoped3A : memref<!tpu.dma_semaphore, #tpu.memory_space<semaphore_mem>>) src(%dma_wait3A_36 : memref<125x80xi32, #tpu.memory_space<hbm>>) dst(%arg6 : memref<125x80xi32, #tpu.memory_space<vmem>>)
      tpu.yield
    }) : () -> ()
    "tpu.region"() ({
      %run_scoped3A = tpu.sem_alloc : memref<!tpu.dma_semaphore, #tpu.memory_space<semaphore_mem>>
      %dma_start3A = arith.constant 0 : i32
      %dma_start3A_23 = arith.constant 0 : i32
      %dma_start3A_24 = tpu.memref_slice %arg4[%add3A, %dma_start3A, %dma_start3A_23] : memref<32x125x80xi32, #tpu.memory_space<hbm>> -> memref<1x125x80xi32, #tpu.memory_space<hbm>>
      %dma_start3A_25 = tpu.memref_squeeze %dma_start3A_24 : memref<1x125x80xi32, #tpu.memory_space<hbm>> -> memref<125x80xi32, #tpu.memory_space<hbm>>
      %dma_start3A_26 = arith.constant 0 : i32
      %dma_start3A_27 = arith.constant 0 : i32
      %dma_start3A_28 = tpu.memref_slice %arg4[%add3A, %dma_start3A_26, %dma_start3A_27] : memref<32x125x80xi32, #tpu.memory_space<hbm>> -> memref<1x125x80xi32, #tpu.memory_space<hbm>>
      %dma_start3A_29 = tpu.memref_squeeze %dma_start3A_28 : memref<1x125x80xi32, #tpu.memory_space<hbm>> -> memref<125x80xi32, #tpu.memory_space<hbm>>
      tpu.enqueue_dma source(%dma_start3A_29 : memref<125x80xi32, #tpu.memory_space<hbm>>) target(%arg7 : memref<125x80xi32, #tpu.memory_space<vmem>>) target_semaphore(%run_scoped3A : memref<!tpu.dma_semaphore, #tpu.memory_space<semaphore_mem>>)
      %dma_wait3A = arith.constant 0 : i32
      %dma_wait3A_30 = arith.constant 0 : i32
      %dma_wait3A_31 = tpu.memref_slice %arg4[%add3A, %dma_wait3A, %dma_wait3A_30] : memref<32x125x80xi32, #tpu.memory_space<hbm>> -> memref<1x125x80xi32, #tpu.memory_space<hbm>>
      %dma_wait3A_32 = tpu.memref_squeeze %dma_wait3A_31 : memref<1x125x80xi32, #tpu.memory_space<hbm>> -> memref<125x80xi32, #tpu.memory_space<hbm>>
      %dma_wait3A_33 = arith.constant 0 : i32
      %dma_wait3A_34 = arith.constant 0 : i32
      %dma_wait3A_35 = tpu.memref_slice %arg4[%add3A, %dma_wait3A_33, %dma_wait3A_34] : memref<32x125x80xi32, #tpu.memory_space<hbm>> -> memref<1x125x80xi32, #tpu.memory_space<hbm>>
      %dma_wait3A_36 = tpu.memref_squeeze %dma_wait3A_35 : memref<1x125x80xi32, #tpu.memory_space<hbm>> -> memref<125x80xi32, #tpu.memory_space<hbm>>
      tpu.wait_dma2 semaphore(%run_scoped3A : memref<!tpu.dma_semaphore, #tpu.memory_space<semaphore_mem>>) src(%dma_wait3A_36 : memref<125x80xi32, #tpu.memory_space<hbm>>) dst(%arg7 : memref<125x80xi32, #tpu.memory_space<vmem>>)
      tpu.yield
    }) : () -> ()
    %scan3A_15 = arith.constant 0 : i32
    %scan3A_16 = arith.constant 125 : i32
    %scan3A_17 = arith.addi %scan3A_15, %scan3A_16 : i32
    %scan3A_18 = arith.constant 1 : i32
    scf.for %scan3A_23 = %scan3A_15 to %scan3A_17 step %scan3A_18  : i32 {
      %mul3A_24 = arith.constant 1 : i32
      %mul3A_25 = arith.muli %scan3A_23, %mul3A_24 : i32
      %add3A_26 = arith.constant 0 : i32
      %add3A_27 = arith.addi %add3A_26, %mul3A_25 : i32
      %dma_start3A = arith.constant 0 : i32
      %dma_start3A_28 = tpu.memref_slice %arg6[%add3A_27, %dma_start3A] : memref<125x80xi32, #tpu.memory_space<vmem>> -> memref<1x80xi32, #tpu.memory_space<vmem>>
      %dma_start3A_29 = tpu.memref_squeeze %dma_start3A_28 : memref<1x80xi32, #tpu.memory_space<vmem>> -> memref<80xi32, #tpu.memory_space<vmem>>
      %dma_start3A_30 = arith.constant 0 : i32
      %dma_start3A_31 = arith.constant 0 : i32
      %dma_start3A_32 = tpu.memref_slice %arg2[%dma_start3A_30, %dma_start3A_31] : memref<10000x128xf32, #tpu.memory_space<hbm>> -> memref<10000x128xf32, #tpu.memory_space<hbm>>
      tpu.enqueue_indirect_dma source(%dma_start3A_32 : memref<10000x128xf32, #tpu.memory_space<hbm>>) target(%arg8 : memref<80x128xf32, #tpu.memory_space<vmem>>) offsets(%dma_start3A_29 : memref<80xi32, #tpu.memory_space<vmem>>) semaphore(%arg10 : memref<!tpu.dma_semaphore, #tpu.memory_space<semaphore_mem>>)
      %dma_wait3A = arith.constant 0 : i32
      %dma_wait3A_33 = tpu.memref_slice %arg6[%add3A_27, %dma_wait3A] : memref<125x80xi32, #tpu.memory_space<vmem>> -> memref<1x80xi32, #tpu.memory_space<vmem>>
      %dma_wait3A_34 = tpu.memref_squeeze %dma_wait3A_33 : memref<1x80xi32, #tpu.memory_space<vmem>> -> memref<80xi32, #tpu.memory_space<vmem>>
      %dma_wait3A_35 = arith.constant 0 : i32
      %dma_wait3A_36 = arith.constant 0 : i32
      %dma_wait3A_37 = tpu.memref_slice %arg2[%dma_wait3A_35, %dma_wait3A_36] : memref<10000x128xf32, #tpu.memory_space<hbm>> -> memref<10000x128xf32, #tpu.memory_space<hbm>>
      tpu.wait_indirect_dma semaphore(%arg10 : memref<!tpu.dma_semaphore, #tpu.memory_space<semaphore_mem>>) src(%dma_wait3A_37 : memref<10000x128xf32, #tpu.memory_space<hbm>>) dst(%arg8 : memref<80x128xf32, #tpu.memory_space<vmem>>)
      "tpu.region"() ({
        %run_scoped3A = tpu.sem_alloc : memref<!tpu.dma_semaphore, #tpu.memory_space<semaphore_mem>>
        %dma_start3A_38 = arith.constant 0 : i32
        %dma_start3A_39 = tpu.memref_slice %arg7[%add3A_27, %dma_start3A_38] : memref<125x80xi32, #tpu.memory_space<vmem>> -> memref<1x80xi32, #tpu.memory_space<vmem>>
        %dma_start3A_40 = tpu.memref_squeeze %dma_start3A_39 : memref<1x80xi32, #tpu.memory_space<vmem>> -> memref<80xi32, #tpu.memory_space<vmem>>
        %dma_start3A_41 = arith.constant 0 : i32
        %dma_start3A_42 = arith.constant 0 : i32
        %dma_start3A_43 = tpu.memref_slice %arg9[%dma_start3A_41, %dma_start3A_42] : memref<10112x128xf32, #tpu.memory_space<vmem_shared>> -> memref<10112x128xf32, #tpu.memory_space<vmem_shared>>
        tpu.enqueue_indirect_dma source(%arg8 : memref<80x128xf32, #tpu.memory_space<vmem>>) target(%dma_start3A_43 : memref<10112x128xf32, #tpu.memory_space<vmem_shared>>) offsets(%dma_start3A_40 : memref<80xi32, #tpu.memory_space<vmem>>) semaphore(%run_scoped3A : memref<!tpu.dma_semaphore, #tpu.memory_space<semaphore_mem>>) {add = true}
        %dma_wait3A_44 = arith.constant 0 : i32
        %dma_wait3A_45 = tpu.memref_slice %arg7[%add3A_27, %dma_wait3A_44] : memref<125x80xi32, #tpu.memory_space<vmem>> -> memref<1x80xi32, #tpu.memory_space<vmem>>
        %dma_wait3A_46 = tpu.memref_squeeze %dma_wait3A_45 : memref<1x80xi32, #tpu.memory_space<vmem>> -> memref<80xi32, #tpu.memory_space<vmem>>
        %dma_wait3A_47 = arith.constant 0 : i32
        %dma_wait3A_48 = arith.constant 0 : i32
        %dma_wait3A_49 = tpu.memref_slice %arg9[%dma_wait3A_47, %dma_wait3A_48] : memref<10112x128xf32, #tpu.memory_space<vmem_shared>> -> memref<10112x128xf32, #tpu.memory_space<vmem_shared>>
        tpu.wait_indirect_dma semaphore(%run_scoped3A : memref<!tpu.dma_semaphore, #tpu.memory_space<semaphore_mem>>) src(%arg8 : memref<80x128xf32, #tpu.memory_space<vmem>>) dst(%dma_wait3A_49 : memref<10112x128xf32, #tpu.memory_space<vmem_shared>>)
        tpu.yield
      }) : () -> ()
    }
    %scan3A_19 = arith.constant 125 : i32
    %barrier3A_20 = arith.constant 0 : index
    tpu.barrier barrier_id(%barrier3A_20)
    %mul3A_21 = arith.constant 632 : i32
    %mul3A_22 = arith.muli %arg1, %mul3A_21 : i32
    "tpu.region"() ({
      %run_scoped3A = tpu.sem_alloc : memref<!tpu.dma_semaphore, #tpu.memory_space<semaphore_mem>>
      %dma_start3A = arith.constant 0 : i32
      %dma_start3A_23 = tpu.memref_slice %arg5[%arg0, %mul3A_22, %dma_start3A] : memref<2x10112x128xf32, #tpu.memory_space<hbm>> -> memref<1x632x128xf32, #tpu.memory_space<hbm>>
      %dma_start3A_24 = tpu.memref_squeeze %dma_start3A_23 : memref<1x632x128xf32, #tpu.memory_space<hbm>> -> memref<632x128xf32, #tpu.memory_space<hbm>>
      %dma_start3A_25 = arith.constant 0 : i32
      %dma_start3A_26 = tpu.memref_slice %arg9[%mul3A_22, %dma_start3A_25] : memref<10112x128xf32, #tpu.memory_space<vmem_shared>> -> memref<632x128xf32, #tpu.memory_space<vmem_shared>>
      tpu.enqueue_dma source(%dma_start3A_26 : memref<632x128xf32, #tpu.memory_space<vmem_shared>>) target(%dma_start3A_24 : memref<632x128xf32, #tpu.memory_space<hbm>>) target_semaphore(%run_scoped3A : memref<!tpu.dma_semaphore, #tpu.memory_space<semaphore_mem>>)
      %dma_wait3A = arith.constant 0 : i32
      %dma_wait3A_27 = tpu.memref_slice %arg5[%arg0, %mul3A_22, %dma_wait3A] : memref<2x10112x128xf32, #tpu.memory_space<hbm>> -> memref<1x632x128xf32, #tpu.memory_space<hbm>>
      %dma_wait3A_28 = tpu.memref_squeeze %dma_wait3A_27 : memref<1x632x128xf32, #tpu.memory_space<hbm>> -> memref<632x128xf32, #tpu.memory_space<hbm>>
      %dma_wait3A_29 = arith.constant 0 : i32
      %dma_wait3A_30 = tpu.memref_slice %arg9[%mul3A_22, %dma_wait3A_29] : memref<10112x128xf32, #tpu.memory_space<vmem_shared>> -> memref<632x128xf32, #tpu.memory_space<vmem_shared>>
      tpu.wait_dma2 semaphore(%run_scoped3A : memref<!tpu.dma_semaphore, #tpu.memory_space<semaphore_mem>>) src(%dma_wait3A_30 : memref<632x128xf32, #tpu.memory_space<vmem_shared>>) dst(%dma_wait3A_28 : memref<632x128xf32, #tpu.memory_space<hbm>>)
      tpu.yield
    }) : () -> ()
    return
  }
}

module attributes {stable_mosaic.version = 14 : i64} {
  func.func @body(%arg0: i32, %arg1: memref<1000x128xf32, #tpu.memory_space<vmem>>, %arg2: memref<128x128xf32, #tpu.memory_space<vmem>>, %arg3: memref<1000x1xf32, #tpu.memory_space<vmem>>, %arg4: memref<1000x1xf32, #tpu.memory_space<vmem>>, %arg5: memref<1000x128xf32, #tpu.memory_space<vmem>>, %arg6: memref<1000x1xf32, #tpu.memory_space<vmem>>) attributes {dimension_semantics = [#tpu.dimension_semantics<arbitrary>], iteration_bounds = array<i64: 10>, scalar_prefetch = 0 : i64, scratch_operands = 0 : i64, tpu.core_type = #tpu.core_type<tc>, window_params = [{transform_indices = @transform_0, window_bounds = array<i64: 1000, 128>}, {pipeline_mode = #tpu.pipeline_mode<synchronous>, transform_indices = @transform_1, window_bounds = array<i64: 128, 128>}, {transform_indices = @transform_2, window_bounds = array<i64: 1000, 1>}, {transform_indices = @transform_3, window_bounds = array<i64: 1000, 1>}, {transform_indices = @transform_4, window_bounds = array<i64: 1000, 128>}, {transform_indices = @transform_5, window_bounds = array<i64: 1000, 1>}]} {
    %get3A = arith.constant 0 : index
    %get3A_0 = arith.constant 0 : index
    %get3A_1 = vector.load %arg3[%get3A, %get3A_0] : memref<1000x1xf32, #tpu.memory_space<vmem>>, vector<1000x1xf32>
    %get3A_2 = arith.constant 0 : index
    %get3A_3 = arith.constant 0 : index
    %get3A_4 = vector.load %arg4[%get3A_2, %get3A_3] : memref<1000x1xf32, #tpu.memory_space<vmem>>, vector<1000x1xf32>
    %add3A = arith.addf %get3A_1, %get3A_4 : vector<1000x1xf32>
    %add3A_5 = arith.constant 1.000000e+00 : f32
    %add3A_6 = vector.broadcast %add3A_5 : f32 to vector<1000x1xf32>
    %add3A_7 = arith.addf %add3A, %add3A_6 : vector<1000x1xf32>
    %rsqrt3A = math.rsqrt %add3A_7 : vector<1000x1xf32>
    %get3A_8 = arith.constant 0 : index
    %get3A_9 = arith.constant 0 : index
    %get3A_10 = vector.load %arg1[%get3A_8, %get3A_9] : memref<1000x128xf32, #tpu.memory_space<vmem>>, vector<1000x128xf32>
    %get3A_11 = arith.constant 0 : index
    %get3A_12 = arith.constant 0 : index
    %get3A_13 = vector.load %arg2[%get3A_11, %get3A_12] : memref<128x128xf32, #tpu.memory_space<vmem>>, vector<128x128xf32>
    %dot_general3A = arith.constant dense<0.000000e+00> : vector<1000x128xf32>
    %dot_general3A_14 = tpu.matmul %get3A_10, %get3A_13, %dot_general3A {dimension_numbers = #tpu.dot_dimension_numbers<[1], [0], [0], [1], [0, 0, 1, 1], [], []>, transpose_lhs_hint = false} : vector<1000x128xf32>, vector<128x128xf32>, vector<1000x128xf32> -> vector<1000x128xf32>
    %mul3A = vector.broadcast %rsqrt3A : vector<1000x1xf32> to vector<1000x128xf32>
    %mul3A_15 = arith.mulf %dot_general3A_14, %mul3A : vector<1000x128xf32>
    %swap3A = arith.constant 0 : index
    %swap3A_16 = arith.constant 0 : index
    %swap3A_17 = vector.load %arg5[%swap3A, %swap3A_16] : memref<1000x128xf32, #tpu.memory_space<vmem>>, vector<1000x128xf32>
    tpu.vector_store %arg5[%swap3A, %swap3A_16], %mul3A_15 {strides = array<i32>} : memref<1000x128xf32, #tpu.memory_space<vmem>>, vector<1000x128xf32>,
    %swap3A_18 = arith.constant 0 : index
    %swap3A_19 = arith.constant 0 : index
    %swap3A_20 = vector.load %arg6[%swap3A_18, %swap3A_19] : memref<1000x1xf32, #tpu.memory_space<vmem>>, vector<1000x1xf32>
    tpu.vector_store %arg6[%swap3A_18, %swap3A_19], %rsqrt3A {strides = array<i32>} : memref<1000x1xf32, #tpu.memory_space<vmem>>, vector<1000x1xf32>,
    return
  }
  func.func @transform_0(%arg0: i32) -> (i32, i32) {
    %c0_i32 = arith.constant 0 : i32
    %c0_i32_0 = arith.constant 0 : i32
    return %arg0, %c0_i32 : i32, i32
  }
  func.func @transform_1(%arg0: i32) -> (i32, i32) {
    %c0_i32 = arith.constant 0 : i32
    %c0_i32_0 = arith.constant 0 : i32
    %c0_i32_1 = arith.constant 0 : i32
    return %c0_i32, %c0_i32_0 : i32, i32
  }
  func.func @transform_2(%arg0: i32) -> (i32, i32) {
    %c0_i32 = arith.constant 0 : i32
    %c0_i32_0 = arith.constant 0 : i32
    return %arg0, %c0_i32 : i32, i32
  }
  func.func @transform_3(%arg0: i32) -> (i32, i32) {
    %c0_i32 = arith.constant 0 : i32
    %c0_i32_0 = arith.constant 0 : i32
    return %arg0, %c0_i32 : i32, i32
  }
  func.func @transform_4(%arg0: i32) -> (i32, i32) {
    %c0_i32 = arith.constant 0 : i32
    %c0_i32_0 = arith.constant 0 : i32
    return %arg0, %c0_i32 : i32, i32
  }
  func.func @transform_5(%arg0: i32) -> (i32, i32) {
    %c0_i32 = arith.constant 0 : i32
    %c0_i32_0 = arith.constant 0 : i32
    return %arg0, %c0_i32 : i32, i32
  }
}

module attributes {stable_mosaic.version = 14 : i64} {
  func.func @body(%arg0: i32, %arg1: memref<2x1000x128xf32, #tpu.memory_space<vmem>>, %arg2: memref<1000x128xf32, #tpu.memory_space<vmem>>, %arg3: memref<1000x1xf32, #tpu.memory_space<vmem>>, %arg4: memref<1x128xf32, #tpu.memory_space<vmem>>, %arg5: memref<1000x128xf32, #tpu.memory_space<vmem>>) attributes {dimension_semantics = [#tpu.dimension_semantics<arbitrary>], iteration_bounds = array<i64: 10>, scalar_prefetch = 0 : i64, scratch_operands = 0 : i64, tpu.core_type = #tpu.core_type<tc>, window_params = [{transform_indices = @transform_0, window_bounds = array<i64: 2, 1000, 128>}, {transform_indices = @transform_1, window_bounds = array<i64: 1000, 128>}, {transform_indices = @transform_2, window_bounds = array<i64: 1000, 1>}, {pipeline_mode = #tpu.pipeline_mode<synchronous>, transform_indices = @transform_3, window_bounds = array<i64: 1, 128>}, {transform_indices = @transform_4, window_bounds = array<i64: 1000, 128>}]} {
    %get3A = arith.constant 0 : index
    %get3A_0 = arith.constant 0 : index
    %get3A_1 = vector.load %arg3[%get3A, %get3A_0] : memref<1000x1xf32, #tpu.memory_space<vmem>>, vector<1000x1xf32>
    %get3A_2 = arith.constant 0 : index
    %get3A_3 = arith.constant 0 : index
    %get3A_4 = arith.constant 0 : index
    %get3A_5 = vector.load %arg1[%get3A_2, %get3A_3, %get3A_4] : memref<2x1000x128xf32, #tpu.memory_space<vmem>>, vector<1x1000x128xf32>
    %get3A_6 = vector.shape_cast %get3A_5 : vector<1x1000x128xf32> to vector<1000x128xf32>
    %get3A_7 = arith.constant 1 : index
    %get3A_8 = arith.constant 0 : index
    %get3A_9 = arith.constant 0 : index
    %get3A_10 = vector.load %arg1[%get3A_7, %get3A_8, %get3A_9] : memref<2x1000x128xf32, #tpu.memory_space<vmem>>, vector<1x1000x128xf32>
    %get3A_11 = vector.shape_cast %get3A_10 : vector<1x1000x128xf32> to vector<1000x128xf32>
    %add3A = arith.addf %get3A_6, %get3A_11 : vector<1000x128xf32>
    %get3A_12 = arith.constant 0 : index
    %get3A_13 = arith.constant 0 : index
    %get3A_14 = vector.load %arg2[%get3A_12, %get3A_13] : memref<1000x128xf32, #tpu.memory_space<vmem>>, vector<1000x128xf32>
    %add3A_15 = arith.addf %add3A, %get3A_14 : vector<1000x128xf32>
    %mul3A = vector.broadcast %get3A_1 : vector<1000x1xf32> to vector<1000x128xf32>
    %mul3A_16 = arith.mulf %mul3A, %add3A_15 : vector<1000x128xf32>
    %get3A_17 = arith.constant 0 : index
    %get3A_18 = arith.constant 0 : index
    %get3A_19 = vector.load %arg4[%get3A_17, %get3A_18] : memref<1x128xf32, #tpu.memory_space<vmem>>, vector<1x128xf32>
    %add3A_20 = vector.broadcast %get3A_19 : vector<1x128xf32> to vector<1000x128xf32>
    %add3A_21 = arith.addf %mul3A_16, %add3A_20 : vector<1000x128xf32>
    %max3A = arith.constant 0.000000e+00 : f32
    %max3A_22 = vector.broadcast %max3A : f32 to vector<1000x128xf32>
    %max3A_23 = arith.maximumf %add3A_21, %max3A_22 : vector<1000x128xf32>
    %mul3A_24 = vector.broadcast %get3A_1 : vector<1000x1xf32> to vector<1000x128xf32>
    %mul3A_25 = arith.mulf %max3A_23, %mul3A_24 : vector<1000x128xf32>
    %swap3A = arith.constant 0 : index
    %swap3A_26 = arith.constant 0 : index
    %swap3A_27 = vector.load %arg5[%swap3A, %swap3A_26] : memref<1000x128xf32, #tpu.memory_space<vmem>>, vector<1000x128xf32>
    tpu.vector_store %arg5[%swap3A, %swap3A_26], %mul3A_25 {strides = array<i32>} : memref<1000x128xf32, #tpu.memory_space<vmem>>, vector<1000x128xf32>,
    return
  }
  func.func @transform_0(%arg0: i32) -> (i32, i32, i32) {
    %c0_i32 = arith.constant 0 : i32
    %c0_i32_0 = arith.constant 0 : i32
    %c0_i32_1 = arith.constant 0 : i32
    return %c0_i32, %arg0, %c0_i32_0 : i32, i32, i32
  }
  func.func @transform_1(%arg0: i32) -> (i32, i32) {
    %c0_i32 = arith.constant 0 : i32
    %c0_i32_0 = arith.constant 0 : i32
    return %arg0, %c0_i32 : i32, i32
  }
  func.func @transform_2(%arg0: i32) -> (i32, i32) {
    %c0_i32 = arith.constant 0 : i32
    %c0_i32_0 = arith.constant 0 : i32
    return %arg0, %c0_i32 : i32, i32
  }
  func.func @transform_3(%arg0: i32) -> (i32, i32) {
    %c0_i32 = arith.constant 0 : i32
    %c0_i32_0 = arith.constant 0 : i32
    %c0_i32_1 = arith.constant 0 : i32
    return %c0_i32, %c0_i32_0 : i32, i32
  }
  func.func @transform_4(%arg0: i32) -> (i32, i32) {
    %c0_i32 = arith.constant 0 : i32
    %c0_i32_0 = arith.constant 0 : i32
    return %arg0, %c0_i32 : i32, i32
  }
}

module attributes {stable_mosaic.version = 14 : i64} {
  func.func @body(%arg0: i32, %arg1: memref<2x1000x128xf32, #tpu.memory_space<vmem>>, %arg2: memref<1000x128xf32, #tpu.memory_space<vmem>>, %arg3: memref<1000x1xf32, #tpu.memory_space<vmem>>, %arg4: memref<128x64xf32, #tpu.memory_space<vmem>>, %arg5: memref<1x64xf32, #tpu.memory_space<vmem>>, %arg6: memref<1000x64xf32, #tpu.memory_space<vmem>>) attributes {dimension_semantics = [#tpu.dimension_semantics<arbitrary>], iteration_bounds = array<i64: 10>, scalar_prefetch = 0 : i64, scratch_operands = 0 : i64, tpu.core_type = #tpu.core_type<tc>, window_params = [{transform_indices = @transform_0, window_bounds = array<i64: 2, 1000, 128>}, {transform_indices = @transform_1, window_bounds = array<i64: 1000, 128>}, {transform_indices = @transform_2, window_bounds = array<i64: 1000, 1>}, {pipeline_mode = #tpu.pipeline_mode<synchronous>, transform_indices = @transform_3, window_bounds = array<i64: 128, 64>}, {pipeline_mode = #tpu.pipeline_mode<synchronous>, transform_indices = @transform_4, window_bounds = array<i64: 1, 64>}, {transform_indices = @transform_5, window_bounds = array<i64: 1000, 64>}]} {
    %get3A = arith.constant 0 : index
    %get3A_0 = arith.constant 0 : index
    %get3A_1 = vector.load %arg3[%get3A, %get3A_0] : memref<1000x1xf32, #tpu.memory_space<vmem>>, vector<1000x1xf32>
    %get3A_2 = arith.constant 0 : index
    %get3A_3 = arith.constant 0 : index
    %get3A_4 = arith.constant 0 : index
    %get3A_5 = vector.load %arg1[%get3A_2, %get3A_3, %get3A_4] : memref<2x1000x128xf32, #tpu.memory_space<vmem>>, vector<1x1000x128xf32>
    %get3A_6 = vector.shape_cast %get3A_5 : vector<1x1000x128xf32> to vector<1000x128xf32>
    %get3A_7 = arith.constant 1 : index
    %get3A_8 = arith.constant 0 : index
    %get3A_9 = arith.constant 0 : index
    %get3A_10 = vector.load %arg1[%get3A_7, %get3A_8, %get3A_9] : memref<2x1000x128xf32, #tpu.memory_space<vmem>>, vector<1x1000x128xf32>
    %get3A_11 = vector.shape_cast %get3A_10 : vector<1x1000x128xf32> to vector<1000x128xf32>
    %add3A = arith.addf %get3A_6, %get3A_11 : vector<1000x128xf32>
    %get3A_12 = arith.constant 0 : index
    %get3A_13 = arith.constant 0 : index
    %get3A_14 = vector.load %arg2[%get3A_12, %get3A_13] : memref<1000x128xf32, #tpu.memory_space<vmem>>, vector<1000x128xf32>
    %add3A_15 = arith.addf %add3A, %get3A_14 : vector<1000x128xf32>
    %mul3A = vector.broadcast %get3A_1 : vector<1000x1xf32> to vector<1000x128xf32>
    %mul3A_16 = arith.mulf %mul3A, %add3A_15 : vector<1000x128xf32>
    %get3A_17 = arith.constant 0 : index
    %get3A_18 = arith.constant 0 : index
    %get3A_19 = vector.load %arg4[%get3A_17, %get3A_18] : memref<128x64xf32, #tpu.memory_space<vmem>>, vector<128x64xf32>
    %dot_general3A = arith.constant dense<0.000000e+00> : vector<1000x64xf32>
    %dot_general3A_20 = tpu.matmul %mul3A_16, %get3A_19, %dot_general3A {dimension_numbers = #tpu.dot_dimension_numbers<[1], [0], [0], [1], [0, 0, 1, 1], [], []>, transpose_lhs_hint = false} : vector<1000x128xf32>, vector<128x64xf32>, vector<1000x64xf32> -> vector<1000x64xf32>
    %get3A_21 = arith.constant 0 : index
    %get3A_22 = arith.constant 0 : index
    %get3A_23 = vector.load %arg5[%get3A_21, %get3A_22] : memref<1x64xf32, #tpu.memory_space<vmem>>, vector<1x64xf32>
    %add3A_24 = vector.broadcast %get3A_23 : vector<1x64xf32> to vector<1000x64xf32>
    %add3A_25 = arith.addf %dot_general3A_20, %add3A_24 : vector<1000x64xf32>
    %reduce_max3A = arith.constant dense<0xFF800000> : vector<1000xf32>
    %reduce_max3A_26 = vector.multi_reduction <maximumf>, %add3A_25, %reduce_max3A [1] : vector<1000x64xf32> to vector<1000xf32>
    %broadcast_in_dim3A = vector.shape_cast %reduce_max3A_26 : vector<1000xf32> to vector<1000x1xf32>
    %sub3A = vector.broadcast %broadcast_in_dim3A : vector<1000x1xf32> to vector<1000x64xf32>
    %sub3A_27 = arith.subf %add3A_25, %sub3A : vector<1000x64xf32>
    %exp3A = math.exp %sub3A_27 : vector<1000x64xf32>
    %reduce_sum3A = arith.constant dense<0.000000e+00> : vector<1000xf32>
    %reduce_sum3A_28 = vector.multi_reduction <add>, %exp3A, %reduce_sum3A [1] : vector<1000x64xf32> to vector<1000xf32>
    %broadcast_in_dim3A_29 = vector.shape_cast %reduce_sum3A_28 : vector<1000xf32> to vector<1000x1xf32>
    %log3A = math.log %broadcast_in_dim3A_29 : vector<1000x1xf32>
    %sub3A_30 = vector.broadcast %log3A : vector<1000x1xf32> to vector<1000x64xf32>
    %sub3A_31 = arith.subf %sub3A_27, %sub3A_30 : vector<1000x64xf32>
    %swap3A = arith.constant 0 : index
    %swap3A_32 = arith.constant 0 : index
    %swap3A_33 = vector.load %arg6[%swap3A, %swap3A_32] : memref<1000x64xf32, #tpu.memory_space<vmem>>, vector<1000x64xf32>
    tpu.vector_store %arg6[%swap3A, %swap3A_32], %sub3A_31 {strides = array<i32>} : memref<1000x64xf32, #tpu.memory_space<vmem>>, vector<1000x64xf32>,
    return
  }
  func.func @transform_0(%arg0: i32) -> (i32, i32, i32) {
    %c0_i32 = arith.constant 0 : i32
    %c0_i32_0 = arith.constant 0 : i32
    %c0_i32_1 = arith.constant 0 : i32
    return %c0_i32, %arg0, %c0_i32_0 : i32, i32, i32
  }
  func.func @transform_1(%arg0: i32) -> (i32, i32) {
    %c0_i32 = arith.constant 0 : i32
    %c0_i32_0 = arith.constant 0 : i32
    return %arg0, %c0_i32 : i32, i32
  }
  func.func @transform_2(%arg0: i32) -> (i32, i32) {
    %c0_i32 = arith.constant 0 : i32
    %c0_i32_0 = arith.constant 0 : i32
    return %arg0, %c0_i32 : i32, i32
  }
  func.func @transform_3(%arg0: i32) -> (i32, i32) {
    %c0_i32 = arith.constant 0 : i32
    %c0_i32_0 = arith.constant 0 : i32
    %c0_i32_1 = arith.constant 0 : i32
    return %c0_i32, %c0_i32_0 : i32, i32
  }
  func.func @transform_4(%arg0: i32) -> (i32, i32) {
    %c0_i32 = arith.constant 0 : i32
    %c0_i32_0 = arith.constant 0 : i32
    %c0_i32_1 = arith.constant 0 : i32
    return %c0_i32, %c0_i32_0 : i32, i32
  }
  func.func @transform_5(%arg0: i32) -> (i32, i32) {
    %c0_i32 = arith.constant 0 : i32
    %c0_i32_0 = arith.constant 0 : i32
    return %arg0, %c0_i32 : i32, i32
  }
}

</mosaic_0001>

<sc_bundles>
// kernel: kernel.11.cloned.1.call-start
scs
__scs_entry_jumppad:
0x0: {  	(pc) =	sbr.rel $0x88, $3  }
0x1: {  	(tag) =	ssettag $0x0;
	lr =	simm.s32 $0x1  }
0x2: {  	[smem:$0x3F9B] =	sst lr;
	_ =	strace $0xD0000000  }
0x3: {  	_ = 	snop  }
0x4: {  	_ = 	snop  }
0x5: {  	_ = 	snop  }
0x6: {  	_ = 	snop  }
0x7: {  	_ = 	snop  }
__scs_overlays_trampoline_lowered:
0x8: {  	[smem:$0x3FAA] =	sst s0  }
0x9: {  	[smem:$0x3FAB] =	sst s1  }
0xa: {  	[smem:$0x3FAC] =	sst s2  }
0xb: {  	[smem:$0x3FAD] =	sst s3  }
0xc: {  	[smem:$0x3FAE] =	sst s4  }
0xd: {  	[smem:$0x3FAF] =	sst s5  }
0xe: {  	[smem:$0x3FB0] =	sst s6  }
0xf: {  	[smem:$0x3FB1] =	sst s7  }
0x10: {  	[smem:$0x3FB2] =	sst s8  }
0x11: {  	[smem:$0x3FB3] =	sst s9;
	s0 =	simm.s32 @!p0 $0x0  }
0x12: {  	s1 =	sld [smem:$0x3F99];
	s0 =	simm.s32 @p0 $0x1  }
0x13: {  	[smem:$0x3FB4] =	sst s0;
	s0 =	simm.s32 @!p1 $0x0  }
0x14: {  	s2 =	sld [smem:$0x3F98];
	s0 =	simm.s32 @p1 $0x1  }
0x15: {  	[smem:$0x3FB5] =	sst s0;
	s0 =	simm.s32 @!p2 $0x0  }
0x16: {  	s3 =	sld [smem:$0x3FDB];
	s0 =	simm.s32 @p2 $0x1  }
0x17: {  	s4 =	simm.s32 $0x1BF5;
	[smem:$0x3FB7] =	sst s0  }
0x18: {  	s0 =	sld [smem:$0x3F9A];
	_ =	swait.ge [sflag:s4], $0x0  }
0x19: {  	s7 =	sld [smem:$0x3F9B]  }
0x1a: {  	s8 =	sadd.s32 $0xFFFFE003, lr  }
0x1b: {  	s9 =	sadd.s32 $0xFFFFFEF7, lr;
	s5 =	simm.s32 $0xFFFFFFFF;
	p2 =	slt.u32 s8, $0xFFFFF086  }
0x1c: {  	p1 =	slt.u32 s9, $0xF7A;
	s5 =	simm.s32 @!p2 $0x0  }
0x1d: {  	s5 =	simm.s32 @p1 $0x1;
	p0 =	seq.s32 s7, s2  }
0x1e: {  	s7 =	smul.u32 @!p0 $0xF7A, s2;
	p2 =	seq.s32 @!p0 s5, $0x0  }
0x1f: {  	s9 =	smul.u32 $0xF7A, s1;
	s8 =	simm.s32 @!p0 $0x1BF5;
	p2 =	por !p2, p0  }
0x20: {  	[sflag:s8] =	ssyncset.s32 @!p0 $0xFFFFF086;
	s6 =	sadd.s32 @!p0 s3, s7;
	s7 =	simm.s32 @!p0 $0x108  }
0x21: {  	s3 =	sadd.s32 s3, s9;
	s6 =	sadd.s32 @!p0 $0x88, s6;
	s7 =	simm.s32 @p2 $0x1082  }
0x22: {  	[simem:s7], [sflag:s8] =	dma.local @!p0 [hbm:s6], $0xF7A  }
0x23: {  	s9 =	sor.u32 $0xD0000000, s2;
	s6 =	simm.s32 $0x108;
	_ =	swait.ge @!p0 [sflag:s8], $0x0  }
0x24: {  	s3 =	sadd.s32 $0x88, s3;
	s6 =	simm.s32 @!p1 $0x1082;
	[sflag:s4] =	ssyncset.s32 $0xFFFFF086  }
0x25: {  	[simem:s6], [sflag:s4] =	dma.local [hbm:s3], $0xF7A  }
0x26: {  	[smem:$0x3F9B] =	sst s1;
	(tag) =	ssettag s2;
	_ =	strace s9  }
0x27: {  	s1 =	sld [smem:$0x3FAB]  }
0x28: {  	s2 =	sld [smem:$0x3FAC]  }
0x29: {  	s4 =	sld [smem:$0x3FAE]  }
0x2a: {  	p0 =	seq.s32 s5, $0x0;
	s5 =	sld [smem:$0x3FAF]  }
0x2b: {  	s6 =	sld [smem:$0x3FB0]  }
0x2c: {  	s7 =	sld [smem:$0x3FB1]  }
0x2d: {  	s3 =	simm.s32 $0x108;
	s8 =	sld [smem:$0x3FB2]  }
0x2e: {  	s3 =	simm.s32 @!p0 $0x1082;
	s9 =	sld [smem:$0x3FB3]  }
0x2f: {  	lr =	sadd.s32 s0, s3;
	s0 =	sld [smem:$0x3FAA]  }
0x30: {  	s3 =	sld [smem:$0x3FAD]  }
0x31: {  	[smem:$0x3FB6] =	sst s10  }
0x32: {  	s10 =	sld [smem:$0x3FB4];
	_ =	sdelay $0x3  }
0x33: {  	p0 =	seq.s32 s10, $0x1;
	s10 =	sld [smem:$0x3FB6];
	_ =	sdelay $0x3  }
0x34: {  	[smem:$0x3FB6] =	sst s10  }
0x35: {  	s10 =	sld [smem:$0x3FB5];
	_ =	sdelay $0x3  }
0x36: {  	p1 =	seq.s32 s10, $0x1;
	s10 =	sld [smem:$0x3FB6];
	_ =	sdelay $0x3  }
0x37: {  	[smem:$0x3FB6] =	sst s10  }
0x38: {  	s10 =	sld [smem:$0x3FB7]  }
0x39: {  	_ = 	snop;
	(pc) =	sbr.ind lr, $3  }
0x3a: {  	_ = 	snop  }
0x3b: {  	_ = 	snop  }
0x3c: {  	p2 =	seq.s32 s10, $0x1;
	s10 =	sld [smem:$0x3FB6]  }
0x3d: {  	_ =	shalt  }
0x3e: {  	_ =	shalt  }
0x3f: {  	_ =	shalt  }
0x40: {  	_ =	shalt  }
0x41: {  	_ =	shalt  }
0x42: {  	_ =	shalt  }
0x43: {  	_ =	shalt  }
0x44: {  	_ =	shalt  }
0x45: {  	_ =	shalt  }
0x46: {  	_ =	shalt  }
0x47: {  	_ =	shalt  }
0x48: {  	_ =	shalt  }
0x49: {  	_ =	shalt  }
0x4a: {  	_ =	shalt  }
0x4b: {  	_ =	shalt  }
0x4c: {  	_ =	shalt  }
0x4d: {  	_ =	shalt  }
0x4e: {  	_ =	shalt  }
0x4f: {  	_ =	shalt  }
0x50: {  	_ =	shalt  }
0x51: {  	_ =	shalt  }
0x52: {  	_ =	shalt  }
0x53: {  	_ =	shalt  }
0x54: {  	_ =	shalt  }
0x55: {  	_ =	shalt  }
0x56: {  	_ =	shalt  }
0x57: {  	_ =	shalt  }
0x58: {  	_ =	shalt  }
0x59: {  	_ =	shalt  }
0x5a: {  	_ =	shalt  }
0x5b: {  	_ =	shalt  }
0x5c: {  	_ =	shalt  }
0x5d: {  	_ =	shalt  }
0x5e: {  	_ =	shalt  }
0x5f: {  	_ =	shalt  }
0x60: {  	_ =	shalt  }
0x61: {  	_ =	shalt  }
0x62: {  	_ =	shalt  }
0x63: {  	_ =	shalt  }
0x64: {  	_ =	shalt  }
0x65: {  	_ =	shalt  }
0x66: {  	_ =	shalt  }
0x67: {  	_ =	shalt  }
0x68: {  	_ =	shalt  }
0x69: {  	_ =	shalt  }
0x6a: {  	_ =	shalt  }
0x6b: {  	_ =	shalt  }
0x6c: {  	_ =	shalt  }
0x6d: {  	_ =	shalt  }
0x6e: {  	_ =	shalt  }
0x6f: {  	_ =	shalt  }
0x70: {  	_ =	shalt  }
0x71: {  	_ =	shalt  }
0x72: {  	_ =	shalt  }
0x73: {  	_ =	shalt  }
0x74: {  	_ =	shalt  }
0x75: {  	_ =	shalt  }
0x76: {  	_ =	shalt  }
0x77: {  	_ =	shalt  }
0x78: {  	_ =	shalt  }
0x79: {  	_ =	shalt  }
0x7a: {  	_ =	shalt  }
0x7b: {  	_ =	shalt  }
0x7c: {  	_ =	shalt  }
0x7d: {  	_ =	shalt  }
0x7e: {  	_ =	shalt  }
0x7f: {  	_ =	shalt  }
0x80: {  	_ =	shalt  }
0x81: {  	_ =	shalt  }
0x82: {  	_ =	shalt  }
0x83: {  	_ =	shalt  }
0x84: {  	_ =	shalt  }
0x85: {  	_ =	shalt  }
0x86: {  	_ =	shalt  }
0x87: {  	_ =	shalt  }
.Lfunc_end0:
.L_simem_size_0:
called_computation.1_lowered:
.L_overlay_start_0:
0x88: {  	s2 =	sld [smem:$0x3FD9]  }
0x89: {  	s3 =	sld [smem:$0x3FFE];
	_ =	sdelay $0x1  }
0x8a: {  	s1 =	srdreg.scid  }
0x8b: {  	s0 =	sand.u32 $0x1, s1  }
0x8c: {  	s17 =	sshll.u32 s0, $0xA;
	s2 =	sadd.s32 s3, s2  }
0x8d: {  	s2 =	sadd.s32 s2, s17  }
0x8e: {  	[smem:$0x3FC2] =	sst s2  }
0x8f: {  	_ = 	snop  }
0x90: {  	s2 =	sld [smem:$0x3FD0];
	(tm) =	ssettm $0x1  }
0x91: {  	s18 =	sld [smem:$0x3FFB];
	_ =	sdelay $0x3  }
0x92: {  	_ =	strace s18  }
0x93: {  	s3 =	sld [smem:$0x3FFC];
	_ =	sdelay $0x3  }
0x94: {  	_ =	strace s3  }
0x95: {  	s3 =	sld [smem:$0x3FFD];
	_ =	sdelay $0x3  }
0x96: {  	_ =	strace s3  }
0x97: {  	_ =	strace $0x8FFFFFFF  }
0x98: {  	s19 =	sld [smem:$0x3FDB];
	_ =	sdelay $0x1  }
0x99: {  	s4 =	simm.s32 $_scs_section_size  }
0x9a: {  	s5 =	simm.s32 $_size__tile_overlayer_lowered;
	s6 =	simm.s32 $_tile_overlayer_lowered  }
0x9b: {  	s22 =	simm.s32 $0x1BFF;
	s21 =	sshll.u32 s6, $0x1;
	s3 =	sadd.s32 s4, s19  }
0x9c: {  	s7 =	simm.s32 $0x0;
	s20 =	sshll.u32 s5, $0x1;
	s5 =	sadd.s32 s21, s3  }
0x9d: {  	[timem:s7], [sflag:s22] =	dma.local [hbm:s5], s20  }
0x9e: {  	_ =	swait.ge [sflag:s22], s20  }
0x9f: {  	s4 =	ssub.s32 $0x0, s20;
	[sflag:s22] =	ssyncset.done $0x0  }
0xa0: {  	[sflag:s22] =	ssyncadd.s32 s4;
	_ =	sdelay $0x1  }
0xa1: {  	s23 =	simm.s32 $0x1B8B  }
0xa2: {  	_ =	swait.ge [sflag:s23], $0x1  }
0xa3: {  	[sflag:s23] =	ssyncset.done $0x0  }
0xa4: {  	s25 =	simm.s32 $0x1B8E;
	s24 =	sld [smem:$0x3FFE];
	[sflag:s23] =	ssyncadd.s32 $0xFFFFFFFF  }
0xa5: {  	s26 =	simm.s32 $execute0_lowered;
	[smem:$0x3FD2] =	sst s25  }
0xa6: {  	s5 =	sshll.u32 s26, $0x1;
	_ =	strace $0x80000049;
	[dreg:$0x1] =	wrdreg $0xFFFFFFFF  }
0xa7: {  	s28 =	simm.s32 $_size_execute0_lowered;
	s3 =	sadd.s32 s3, s5;
	[dreg:$0x0] =	wrdreg $0x0  }
0xa8: {  	s5 =	sshll.u32 s28, $0x1;
	[dreg:$0x2] =	wrdreg s3  }
0xa9: {  	[dreg:$0x3] =	wrdreg s5  }
0xaa: {  	[dreg:$0x4] =	wrdreg $0xC0  }
0xab: {  	_ =	task [dreg:s7], $0x5FFFF  }
0xac: {  	[dreg:$0x1] =	wrdreg $0xFFFFFFFF  }
0xad: {  	[dreg:$0x0] =	wrdreg $0x60  }
0xae: {  	[dreg:$0x2] =	wrdreg s24  }
0xaf: {  	[dreg:$0x3] =	wrdreg s2  }
0xb0: {  	[dreg:$0x4] =	wrdreg $0xA8000  }
0xb1: {  	[dreg:$0x5] =	wrdreg $0x9  }
0xb2: {  	_ =	task.clear_ibuf [dreg:s7], $0x6FFFF;
	_ =	strace $0x90000049  }
0xb3: {  	s29 =	simm.s32 $0x9;
	_ =	strace $0x8000004B  }
0xb4: {  	_ =	swait.ge [sflag:s29], $0x1  }
0xb5: {  	[sflag:s29] =	ssyncadd.s32 $0xFFFFFFFF  }
0xb6: {  	_ =	strace $0x9000004B  }
0xb7: {  	_ =	sfence  }
0xb8: {  	s30 =	sld [smem:$0x0];
	_ =	sdelay $0x2  }
0xb9: {  	s31 =	sshll.u32 s1, $0xD;
	s1 =	sshrl.u32 s1, $0x2  }
0xba: {  	s3 =	sand.u32 $0x4000, s31;
	s1 =	sadd.s32 s1, s30  }
0xbb: {  	s0 =	sor.u32 s3, s0;
	s1 =	sshll.u32 s1, $0x11  }
0xbc: {  	s0 =	sor.u32 s1, s0  }
0xbd: {  	s0 =	sadd.s32 $0x8F2B, s0  }
0xbe: {  	[sflag:s0] =	ssyncadd.remote.s32 $0x1  }
0xbf: {  	_ =	sfence.sel $0xFFFF  }
0xc0: {  	[dreg:$0x0] =	wrdreg $0xFFFFFFFF;
	(pc) =	sbr.abs _section_cstart, $3  }
0xc1: {  	[dreg:$0x1] =	wrdreg $0xFFFFFFFF  }
0xc2: {  	_ =	task.clear_ibuf [dreg:s7], $0x2FFFF;
	_ =	strace $0x9FFFFFFF  }
0xc3: {  	(tm) =	ssettm $0x7FFFFFFF  }
tec
execute0_lowered:
.L_overlay_start_1:
0x0: {  	(tag) =	ssettag $0x1  }
0x1: {  	s6 =	rddreg [dreg:$0x0]  }
0x2: {  	s8 =	rddreg [dreg:$0x1]  }
0x3: {  	s1 =	rddreg [dreg:$0x2]  }
0x4: {  	s2 =	srdreg.scid;
	s0 =	rddreg [dreg:$0x3];
	s3 =	simm.s32 $0x0  }
0x5: {  	s17 =	simm.s32 $0x8000;
	s18 =	simm.s32 $0x2;
	s19 =	simm.s32 $0x4000  }
0x6: {  	s20 =	simm.s32 $0x50;
	s5 =	sand.u32 $0x1, s2;
	s2 =	stileid.u32  }
0x7: {  	s21 =	simm.s32 $0x1;
	[smem:$0x7FF] =	sst s3;
	s7 =	smul.u32 $0x13C000, s5  }
0x8: {  	s4 =	sshll.u32 s5, $0xF;
	s9 =	sshll.u32 s2, $0xB;
	s10 =	smul.u32 $0x13C00, s2  }
0x9: {  	s11 =	smul.u32 $0x4F000, s2;
	_ =	strace $0x8000004A;
	s29 =	ssub.s32 $0x2, s5  }
0xa: {  	s9 =	sor.u32 s9, s4;
	s4 =	sadd.s32 $0x13000, s6;
	s31 =	sshrl.u32 s29, $0x1  }
0xb: {  	s12 =	sadd.s32 s9, s6;
	s7 =	sadd.s32 s10, s7;
	s30 =	sshrl.u32 s11, $0x2  }
0xc: {  	s10 =	ssub.s32 s29, s31;
	s8 =	sadd.s32 s8, s9;
	s7 =	sshrl.u32 s7, $0x3  }
0xd: {  	s5 =	sadd.s32 s30, s1;
	s10 =	smax.u32 s10, $0x1;
	s13 =	sadd.s32 s7, s6  }
0xe: {  	s6 =	sadd.s32 $0x11800, s5;
	s7 =	sadd.s32 $0x3000, s12;
	s11 =	sadd.s32 $0x2800, s5  }
0xf: {  	s12 =	sadd.s32 $0x5000, s5;
	s14 =	sadd.s32 $0xA000, s5;
	s15 =	sadd.s32 $0xC800, s5  }
0x10: {  	v0 =	vimm.f32 $0.0e+00;
	s16 =	sadd.s32 $0xF000, s5;
	s9 =	sadd.s32 $0x3A200, s13;
	s13 =	sadd.s32 $0x7800, s5  }
.LBB2_1:
0x11: {  	s22 =	simm.s32 $0x0;
	s23 =	simm.s32 $0x200  }
.LBB2_2:
0x12: {  	p0 =	sne.s32 s23, $0x9E00;
	[tilespmem:s22+$0x8070] =	vst v0  }
0x13: {  	[tilespmem:s22+$0x8000] =	vst v0  }
0x14: {  	[tilespmem:s22+$0x8010] =	vst v0  }
.Ltmp0:
0x15: {  	[tilespmem:s22+$0x8020] =	vst v0;
	(pc) =	sbr.rel @p0 .LBB2_2-.Ltmp0, $4  }
0x16: {  	[tilespmem:s22+$0x8030] =	vst v0  }
0x17: {  	[tilespmem:s22+$0x8040] =	vst v0  }
0x18: {  	[tilespmem:s22+$0x8050] =	vst v0  }
0x19: {  	[tilespmem:s22+$0x8060] =	vst v0;
	s22 =	sshra.s32 s23, $0x2;
	s23 =	sadd.s32 $0x200, s23  }
0x1a: {  	[tilespmem:s22+$0x8070] =	vst v0  }
0x1b: {  	[tilespmem:s22+$0x8000] =	vst v0  }
0x1c: {  	[tilespmem:s22+$0x8010] =	vst v0  }
0x1d: {  	[tilespmem:s22+$0x8020] =	vst v0  }
0x1e: {  	[tilespmem:s22+$0x8030] =	vst v0  }
0x1f: {  	[tilespmem:s22+$0x8040] =	vst v0  }
0x20: {  	[tilespmem:s22+$0x8050] =	vst v0  }
0x21: {  	[tilespmem:s22+$0x8060] =	vst v0  }
0x22: {  	[spmem:s5] =	stream.linear.scatter [tilespmem:s17], [sflag:$0x2], $0x2800, $0x38;
	[tilespmem:$0x1E400] =	vst v63  }
0x23: {  	_ =	swait.ge [sflag:s18], $0x2800  }
0x24: {  	[sflag:s18] =	ssyncset.done $0x0  }
0x25: {  	[sflag:s18] =	ssyncadd.s32 $0xFFFFD800  }
0x26: {  	[spmem:s11] =	stream.linear.scatter [tilespmem:s17], [sflag:$0x2], $0x2800, $0x38;
	[tilespmem:$0x1E400] =	vst v63  }
0x27: {  	_ =	swait.ge [sflag:s18], $0x2800  }
0x28: {  	[sflag:s18] =	ssyncset.done $0x0  }
0x29: {  	[sflag:s18] =	ssyncadd.s32 $0xFFFFD800  }
0x2a: {  	[spmem:s12] =	stream.linear.scatter [tilespmem:s17], [sflag:$0x2], $0x2800, $0x38;
	[tilespmem:$0x1E400] =	vst v63  }
0x2b: {  	_ =	swait.ge [sflag:s18], $0x2800  }
0x2c: {  	[sflag:s18] =	ssyncset.done $0x0  }
0x2d: {  	[sflag:s18] =	ssyncadd.s32 $0xFFFFD800  }
0x2e: {  	[spmem:s13] =	stream.linear.scatter [tilespmem:s17], [sflag:$0x2], $0x2800, $0x38;
	[tilespmem:$0x1E400] =	vst v63  }
0x2f: {  	_ =	swait.ge [sflag:s18], $0x2800  }
0x30: {  	[sflag:s18] =	ssyncset.done $0x0  }
0x31: {  	[sflag:s18] =	ssyncadd.s32 $0xFFFFD800  }
0x32: {  	[spmem:s14] =	stream.linear.scatter [tilespmem:s17], [sflag:$0x2], $0x2800, $0x38;
	[tilespmem:$0x1E400] =	vst v63  }
0x33: {  	_ =	swait.ge [sflag:s18], $0x2800  }
0x34: {  	[sflag:s18] =	ssyncset.done $0x0  }
0x35: {  	[sflag:s18] =	ssyncadd.s32 $0xFFFFD800  }
0x36: {  	[spmem:s15] =	stream.linear.scatter [tilespmem:s17], [sflag:$0x2], $0x2800, $0x38;
	[tilespmem:$0x1E400] =	vst v63  }
0x37: {  	_ =	swait.ge [sflag:s18], $0x2800  }
0x38: {  	[sflag:s18] =	ssyncset.done $0x0  }
0x39: {  	[sflag:s18] =	ssyncadd.s32 $0xFFFFD800  }
0x3a: {  	[spmem:s16] =	stream.linear.scatter [tilespmem:s17], [sflag:$0x2], $0x2800, $0x38;
	[tilespmem:$0x1E400] =	vst v63  }
0x3b: {  	_ =	swait.ge [sflag:s18], $0x2800  }
0x3c: {  	[sflag:s18] =	ssyncset.done $0x0  }
0x3d: {  	[sflag:s18] =	ssyncadd.s32 $0xFFFFD800  }
0x3e: {  	[spmem:s6] =	stream.linear.scatter [tilespmem:s17], [sflag:$0x2], $0x2400, $0x38;
	[tilespmem:$0x1E400] =	vst v63  }
0x3f: {  	_ =	swait.ge [sflag:s18], $0x2400  }
0x40: {  	[sflag:s18] =	ssyncset.done $0x0  }
0x41: {  	[sflag:s18] =	ssyncadd.s32 $0xFFFFDC00  }
0x42: {  	s29 =	simm.s32 $0x0;
	[bflag:$0x0] =	sbarrier.arrive $0xFFFF  }
0x43: {  	[tilespmem:s29], [sflag:$0x2] =	stream.linear.gather [hbm4b:s7+s29], $0x3E80, $0x38;
	[tilespmem:$0x1E400] =	vst v63  }
0x44: {  	_ =	swait.ge [sflag:s18], $0x3E80  }
0x45: {  	[sflag:s18] =	ssyncset.done $0x0  }
0x46: {  	[sflag:s18] =	ssyncadd.s32 $0xFFFFC180  }
0x47: {  	[tilespmem:s19], [sflag:$0x2] =	stream.linear.gather [hbm4b:s8+s29], $0x3E80, $0x38;
	[tilespmem:$0x1E400] =	vst v63  }
0x48: {  	_ =	swait.ge [sflag:s18], $0x3E80  }
0x49: {  	[sflag:s18] =	ssyncset.done $0x0  }
0x4a: {  	s30 =	simm.s32 $0x0;
	[sflag:s18] =	ssyncadd.s32 $0xFFFFC180  }
0x4b: {  	[tilespmem:s17], [sflag:$0x1] =	stream.indirect.gather [hbm4b:s4+s20], $0x80, s30, s20, $0xb8;
	[tilespmem:$0x1E400] =	vst v63  }
0x4c: {  	_ =	swait.ge [sflag:s21], $0x2800  }
0x4d: {  	[sflag:s21] =	ssyncset.done $0x0  }
0x4e: {  	s31 =	simm.s32 $0x4000;
	[sflag:s21] =	ssyncadd.s32 $0xFFFFD800  }
0x4f: {  	[spmem:s1] =	stream.indirect.scatter.add.f32 [tilespmem:s17], [sflag:$0x2], $0x80, s31, s20, $0xb8;
	[tilespmem:$0x1E400] =	vst v63  }
0x50: {  	_ =	swait.ge [sflag:s18], $0x2800  }
0x51: {  	s22 =	simm.s32 $0x200;
	s23 =	simm.s32 $0x400;
	[sflag:s18] =	ssyncset.done $0x0  }
.LBB2_4:
0x52: {  	s24 =	sshra.s32 s22, $0x2  }
0x53: {  	[sflag:s18] =	ssyncadd.s32 $0xFFFFD800;
	s22 =	smov.u32 s23;
	s25 =	sadd.s32 $0x200, s23  }
0x54: {  	[tilespmem:s17], [sflag:$0x1] =	stream.indirect.gather [hbm4b:s4+s20], $0x80, s24, s20, $0xb8;
	[tilespmem:$0x1E400] =	vst v63  }
0x55: {  	p0 =	sne.s32 s23, $0xF800;
	_ =	swait.ge [sflag:s21], $0x2800  }
.Ltmp1:
0x56: {  	[sflag:s21] =	ssyncset.done $0x0;
	(pc) =	sbr.rel @p0 .LBB2_4-.Ltmp1, $4  }
0x57: {  	s23 =	sadd.s32 $0x4000, s24;
	[sflag:s21] =	ssyncadd.s32 $0xFFFFD800  }
0x58: {  	[spmem:s1] =	stream.indirect.scatter.add.f32 [tilespmem:s17], [sflag:$0x2], $0x80, s23, s20, $0xb8;
	[tilespmem:$0x1E400] =	vst v63  }
0x59: {  	_ =	swait.ge [sflag:s18], $0x2800  }
0x5a: {  	s23 =	smov.u32 s25;
	[sflag:s18] =	ssyncset.done $0x0  }
0x5b: {  	s22 =	sshra.s32 s22, $0x2;
	[sflag:s18] =	ssyncadd.s32 $0xFFFFD800  }
0x5c: {  	[tilespmem:s17], [sflag:$0x1] =	stream.indirect.gather [hbm4b:s4+s20], $0x80, s22, s20, $0xb8;
	[tilespmem:$0x1E400] =	vst v63  }
0x5d: {  	_ =	swait.ge [sflag:s21], $0x2800  }
0x5e: {  	[sflag:s21] =	ssyncset.done $0x0  }
0x5f: {  	s22 =	sadd.s32 $0x4000, s22;
	[sflag:s21] =	ssyncadd.s32 $0xFFFFD800  }
0x60: {  	[spmem:s1] =	stream.indirect.scatter.add.f32 [tilespmem:s17], [sflag:$0x2], $0x80, s22, s20, $0xb8;
	[tilespmem:$0x1E400] =	vst v63  }
0x61: {  	_ =	swait.ge [sflag:s18], $0x2800  }
0x62: {  	s31 =	sshll.u32 s2, $0x6;
	s3 =	sadd.s32 $0x1, s3;
	[sflag:s18] =	ssyncset.done $0x0  }
0x63: {  	s23 =	sshrl.u32 s5, $0x3;
	p0 =	sne.s32 s3, s10;
	[sflag:s18] =	ssyncadd.s32 $0xFFFFD800  }
.Ltmp2:
0x64: {  	s22 =	sor.u32 $0x1C02, s31;
	[bflag:$0x0] =	sbarrier.arrive $0xFFFF;
	(pc) =	sbr.rel @p0 .LBB2_1-.Ltmp2, $4  }
0x65: {  	[hbm:s9], [sflag:s22] =	dma.local [spmem:s23], $0x2780  }
0x66: {  	_ =	swait.ge [sflag:s18], $0x2780  }
0x67: {  	[sflag:s18] =	ssyncset.done $0x0  }
0x68: {  	[sflag:s18] =	ssyncadd.s32 $0xFFFFD880  }
0x69: {  	_ =	sfence.sel $0x180000  }
0x6a: {  	[bflag:$0x0] =	sbarrier.arrive $0xFFFF  }
0x6b: {  	p0 =	sne.s32 s2, $0x0;
	_ =	strace $0x9000004A  }
0x6c: {  	s0 =	sadd.s32 @!p0 $0x100000, s0;
	[bflag:$0x2] =	sbarrier.arrive $0xFFFF  }
0x6d: {  	[sflag:s0] =	ssyncadd.tile.s32 @!p0 $0x1;
	_ =	shalt  }
.Lfunc_end2:
_tile_overlayer_lowered:
.L_overlay_start_2:
0x6e: {  	(tag) =	ssettag $0x2  }
0x6f: {  	s0 =	rddreg [dreg:$0x0];
	s2 =	stileid.u32  }
0x70: {  	s1 =	rddreg [dreg:$0x1];
	p0 =	sne.s32 s2, $0x0  }
0x71: {  	s3 =	rddreg [dreg:$0x2];
	[bflag:$0x3] =	sbarrier.arrive $0xFFFF;
	s2 =	simm.s32 @!p0 $0x1C02  }
0x72: {  	[timem:s3], [sflag:s2] =	dma.local @!p0 [hbm:s0], s1  }
0x73: {  	s0 =	simm.s32 @!p0 $0x2  }
0x74: {  	_ =	swait.ge @!p0 [sflag:s0], s1  }
0x75: {  	s1 =	ssub.s32 @!p0 $0x0, s1;
	[sflag:s0] =	ssyncset.done @!p0 $0x0  }
0x76: {  	[sflag:s0] =	ssyncadd.s32 @!p0 s1  }
0x77: {  	[bflag:$0x3] =	sbarrier.arrive $0xFFFF  }
0x78: {  	_ =	shalt  }

// kernel: kernel.14.cloned.1.call-start
scs
__scs_entry_jumppad:
0x0: {  	(pc) =	sbr.rel $0x88, $3  }
0x1: {  	(tag) =	ssettag $0x0;
	lr =	simm.s32 $0x1  }
0x2: {  	[smem:$0x3F9B] =	sst lr;
	_ =	strace $0xD0000000  }
0x3: {  	_ = 	snop  }
0x4: {  	_ = 	snop  }
0x5: {  	_ = 	snop  }
0x6: {  	_ = 	snop  }
0x7: {  	_ = 	snop  }
__scs_overlays_trampoline_lowered:
0x8: {  	[smem:$0x3FAA] =	sst s0  }
0x9: {  	[smem:$0x3FAB] =	sst s1  }
0xa: {  	[smem:$0x3FAC] =	sst s2  }
0xb: {  	[smem:$0x3FAD] =	sst s3  }
0xc: {  	[smem:$0x3FAE] =	sst s4  }
0xd: {  	[smem:$0x3FAF] =	sst s5  }
0xe: {  	[smem:$0x3FB0] =	sst s6  }
0xf: {  	[smem:$0x3FB1] =	sst s7  }
0x10: {  	[smem:$0x3FB2] =	sst s8  }
0x11: {  	[smem:$0x3FB3] =	sst s9;
	s0 =	simm.s32 @!p0 $0x0  }
0x12: {  	s1 =	sld [smem:$0x3F99];
	s0 =	simm.s32 @p0 $0x1  }
0x13: {  	[smem:$0x3FB4] =	sst s0;
	s0 =	simm.s32 @!p1 $0x0  }
0x14: {  	s2 =	sld [smem:$0x3F98];
	s0 =	simm.s32 @p1 $0x1  }
0x15: {  	[smem:$0x3FB5] =	sst s0;
	s0 =	simm.s32 @!p2 $0x0  }
0x16: {  	s3 =	sld [smem:$0x3FDB];
	s0 =	simm.s32 @p2 $0x1  }
0x17: {  	s4 =	simm.s32 $0x1BF5;
	[smem:$0x3FB7] =	sst s0  }
0x18: {  	s0 =	sld [smem:$0x3F9A];
	_ =	swait.ge [sflag:s4], $0x0  }
0x19: {  	s7 =	sld [smem:$0x3F9B]  }
0x1a: {  	s8 =	sadd.s32 $0xFFFFE003, lr  }
0x1b: {  	s9 =	sadd.s32 $0xFFFFFEF7, lr;
	s5 =	simm.s32 $0xFFFFFFFF;
	p2 =	slt.u32 s8, $0xFFFFF086  }
0x1c: {  	p1 =	slt.u32 s9, $0xF7A;
	s5 =	simm.s32 @!p2 $0x0  }
0x1d: {  	s5 =	simm.s32 @p1 $0x1;
	p0 =	seq.s32 s7, s2  }
0x1e: {  	s7 =	smul.u32 @!p0 $0xF7A, s2;
	p2 =	seq.s32 @!p0 s5, $0x0  }
0x1f: {  	s9 =	smul.u32 $0xF7A, s1;
	s8 =	simm.s32 @!p0 $0x1BF5;
	p2 =	por !p2, p0  }
0x20: {  	[sflag:s8] =	ssyncset.s32 @!p0 $0xFFFFF086;
	s6 =	sadd.s32 @!p0 s3, s7;
	s7 =	simm.s32 @!p0 $0x108  }
0x21: {  	s3 =	sadd.s32 s3, s9;
	s6 =	sadd.s32 @!p0 $0x88, s6;
	s7 =	simm.s32 @p2 $0x1082  }
0x22: {  	[simem:s7], [sflag:s8] =	dma.local @!p0 [hbm:s6], $0xF7A  }
0x23: {  	s9 =	sor.u32 $0xD0000000, s2;
	s6 =	simm.s32 $0x108;
	_ =	swait.ge @!p0 [sflag:s8], $0x0  }
0x24: {  	s3 =	sadd.s32 $0x88, s3;
	s6 =	simm.s32 @!p1 $0x1082;
	[sflag:s4] =	ssyncset.s32 $0xFFFFF086  }
0x25: {  	[simem:s6], [sflag:s4] =	dma.local [hbm:s3], $0xF7A  }
0x26: {  	[smem:$0x3F9B] =	sst s1;
	(tag) =	ssettag s2;
	_ =	strace s9  }
0x27: {  	s1 =	sld [smem:$0x3FAB]  }
0x28: {  	s2 =	sld [smem:$0x3FAC]  }
0x29: {  	s4 =	sld [smem:$0x3FAE]  }
0x2a: {  	p0 =	seq.s32 s5, $0x0;
	s5 =	sld [smem:$0x3FAF]  }
0x2b: {  	s6 =	sld [smem:$0x3FB0]  }
0x2c: {  	s7 =	sld [smem:$0x3FB1]  }
0x2d: {  	s3 =	simm.s32 $0x108;
	s8 =	sld [smem:$0x3FB2]  }
0x2e: {  	s3 =	simm.s32 @!p0 $0x1082;
	s9 =	sld [smem:$0x3FB3]  }
0x2f: {  	lr =	sadd.s32 s0, s3;
	s0 =	sld [smem:$0x3FAA]  }
0x30: {  	s3 =	sld [smem:$0x3FAD]  }
0x31: {  	[smem:$0x3FB6] =	sst s10  }
0x32: {  	s10 =	sld [smem:$0x3FB4];
	_ =	sdelay $0x3  }
0x33: {  	p0 =	seq.s32 s10, $0x1;
	s10 =	sld [smem:$0x3FB6];
	_ =	sdelay $0x3  }
0x34: {  	[smem:$0x3FB6] =	sst s10  }
0x35: {  	s10 =	sld [smem:$0x3FB5];
	_ =	sdelay $0x3  }
0x36: {  	p1 =	seq.s32 s10, $0x1;
	s10 =	sld [smem:$0x3FB6];
	_ =	sdelay $0x3  }
0x37: {  	[smem:$0x3FB6] =	sst s10  }
0x38: {  	s10 =	sld [smem:$0x3FB7]  }
0x39: {  	_ = 	snop;
	(pc) =	sbr.ind lr, $3  }
0x3a: {  	_ = 	snop  }
0x3b: {  	_ = 	snop  }
0x3c: {  	p2 =	seq.s32 s10, $0x1;
	s10 =	sld [smem:$0x3FB6]  }
0x3d: {  	_ =	shalt  }
0x3e: {  	_ =	shalt  }
0x3f: {  	_ =	shalt  }
0x40: {  	_ =	shalt  }
0x41: {  	_ =	shalt  }
0x42: {  	_ =	shalt  }
0x43: {  	_ =	shalt  }
0x44: {  	_ =	shalt  }
0x45: {  	_ =	shalt  }
0x46: {  	_ =	shalt  }
0x47: {  	_ =	shalt  }
0x48: {  	_ =	shalt  }
0x49: {  	_ =	shalt  }
0x4a: {  	_ =	shalt  }
0x4b: {  	_ =	shalt  }
0x4c: {  	_ =	shalt  }
0x4d: {  	_ =	shalt  }
0x4e: {  	_ =	shalt  }
0x4f: {  	_ =	shalt  }
0x50: {  	_ =	shalt  }
0x51: {  	_ =	shalt  }
0x52: {  	_ =	shalt  }
0x53: {  	_ =	shalt  }
0x54: {  	_ =	shalt  }
0x55: {  	_ =	shalt  }
0x56: {  	_ =	shalt  }
0x57: {  	_ =	shalt  }
0x58: {  	_ =	shalt  }
0x59: {  	_ =	shalt  }
0x5a: {  	_ =	shalt  }
0x5b: {  	_ =	shalt  }
0x5c: {  	_ =	shalt  }
0x5d: {  	_ =	shalt  }
0x5e: {  	_ =	shalt  }
0x5f: {  	_ =	shalt  }
0x60: {  	_ =	shalt  }
0x61: {  	_ =	shalt  }
0x62: {  	_ =	shalt  }
0x63: {  	_ =	shalt  }
0x64: {  	_ =	shalt  }
0x65: {  	_ =	shalt  }
0x66: {  	_ =	shalt  }
0x67: {  	_ =	shalt  }
0x68: {  	_ =	shalt  }
0x69: {  	_ =	shalt  }
0x6a: {  	_ =	shalt  }
0x6b: {  	_ =	shalt  }
0x6c: {  	_ =	shalt  }
0x6d: {  	_ =	shalt  }
0x6e: {  	_ =	shalt  }
0x6f: {  	_ =	shalt  }
0x70: {  	_ =	shalt  }
0x71: {  	_ =	shalt  }
0x72: {  	_ =	shalt  }
0x73: {  	_ =	shalt  }
0x74: {  	_ =	shalt  }
0x75: {  	_ =	shalt  }
0x76: {  	_ =	shalt  }
0x77: {  	_ =	shalt  }
0x78: {  	_ =	shalt  }
0x79: {  	_ =	shalt  }
0x7a: {  	_ =	shalt  }
0x7b: {  	_ =	shalt  }
0x7c: {  	_ =	shalt  }
0x7d: {  	_ =	shalt  }
0x7e: {  	_ =	shalt  }
0x7f: {  	_ =	shalt  }
0x80: {  	_ =	shalt  }
0x81: {  	_ =	shalt  }
0x82: {  	_ =	shalt  }
0x83: {  	_ =	shalt  }
0x84: {  	_ =	shalt  }
0x85: {  	_ =	shalt  }
0x86: {  	_ =	shalt  }
0x87: {  	_ =	shalt  }
.Lfunc_end0:
.L_simem_size_0:
called_computation.2_lowered:
.L_overlay_start_0:
0x88: {  	s2 =	sld [smem:$0x3FD9]  }
0x89: {  	s3 =	sld [smem:$0x3FFE];
	_ =	sdelay $0x1  }
0x8a: {  	s1 =	srdreg.scid  }
0x8b: {  	s0 =	sand.u32 $0x1, s1  }
0x8c: {  	s17 =	sshll.u32 s0, $0xA;
	s2 =	sadd.s32 s3, s2  }
0x8d: {  	s2 =	sadd.s32 s2, s17  }
0x8e: {  	[smem:$0x3FC2] =	sst s2  }
0x8f: {  	_ = 	snop  }
0x90: {  	s2 =	sld [smem:$0x3FD0];
	(tm) =	ssettm $0x1  }
0x91: {  	s18 =	sld [smem:$0x3FFB];
	_ =	sdelay $0x3  }
0x92: {  	_ =	strace s18  }
0x93: {  	s3 =	sld [smem:$0x3FFC];
	_ =	sdelay $0x3  }
0x94: {  	_ =	strace s3  }
0x95: {  	s3 =	sld [smem:$0x3FFD];
	_ =	sdelay $0x3  }
0x96: {  	_ =	strace s3  }
0x97: {  	_ =	strace $0x8FFFFFFF  }
0x98: {  	s19 =	sld [smem:$0x3FDB];
	_ =	sdelay $0x1  }
0x99: {  	s4 =	simm.s32 $_scs_section_size  }
0x9a: {  	s5 =	simm.s32 $_size__tile_overlayer_lowered;
	s6 =	simm.s32 $_tile_overlayer_lowered  }
0x9b: {  	s22 =	simm.s32 $0x1BFF;
	s21 =	sshll.u32 s6, $0x1;
	s3 =	sadd.s32 s4, s19  }
0x9c: {  	s7 =	simm.s32 $0x0;
	s20 =	sshll.u32 s5, $0x1;
	s5 =	sadd.s32 s21, s3  }
0x9d: {  	[timem:s7], [sflag:s22] =	dma.local [hbm:s5], s20  }
0x9e: {  	_ =	swait.ge [sflag:s22], s20  }
0x9f: {  	s4 =	ssub.s32 $0x0, s20;
	[sflag:s22] =	ssyncset.done $0x0  }
0xa0: {  	[sflag:s22] =	ssyncadd.s32 s4;
	_ =	sdelay $0x1  }
0xa1: {  	s23 =	simm.s32 $0x1B8B  }
0xa2: {  	_ =	swait.ge [sflag:s23], $0x1  }
0xa3: {  	[sflag:s23] =	ssyncset.done $0x0  }
0xa4: {  	s25 =	simm.s32 $0x1B8E;
	s24 =	sld [smem:$0x3FFE];
	[sflag:s23] =	ssyncadd.s32 $0xFFFFFFFF  }
0xa5: {  	s26 =	simm.s32 $execute0_lowered;
	[smem:$0x3FD2] =	sst s25  }
0xa6: {  	s5 =	sshll.u32 s26, $0x1;
	_ =	strace $0x8000004C;
	[dreg:$0x1] =	wrdreg $0xFFFFFFFF  }
0xa7: {  	s28 =	simm.s32 $_size_execute0_lowered;
	s3 =	sadd.s32 s3, s5;
	[dreg:$0x0] =	wrdreg $0x0  }
0xa8: {  	s5 =	sshll.u32 s28, $0x1;
	[dreg:$0x2] =	wrdreg s3  }
0xa9: {  	[dreg:$0x3] =	wrdreg s5  }
0xaa: {  	[dreg:$0x4] =	wrdreg $0xC0  }
0xab: {  	_ =	task [dreg:s7], $0x5FFFF  }
0xac: {  	[dreg:$0x1] =	wrdreg $0xFFFFFFFF  }
0xad: {  	[dreg:$0x0] =	wrdreg $0x60  }
0xae: {  	[dreg:$0x2] =	wrdreg s24  }
0xaf: {  	[dreg:$0x3] =	wrdreg s2  }
0xb0: {  	[dreg:$0x4] =	wrdreg $0xA8000  }
0xb1: {  	[dreg:$0x5] =	wrdreg $0x9  }
0xb2: {  	_ =	task.clear_ibuf [dreg:s7], $0x6FFFF;
	_ =	strace $0x9000004C  }
0xb3: {  	s29 =	simm.s32 $0x9;
	_ =	strace $0x8000004E  }
0xb4: {  	_ =	swait.ge [sflag:s29], $0x1  }
0xb5: {  	[sflag:s29] =	ssyncadd.s32 $0xFFFFFFFF  }
0xb6: {  	_ =	strace $0x9000004E  }
0xb7: {  	_ =	sfence  }
0xb8: {  	s30 =	sld [smem:$0x0];
	_ =	sdelay $0x2  }
0xb9: {  	s31 =	sshll.u32 s1, $0xD;
	s1 =	sshrl.u32 s1, $0x2  }
0xba: {  	s3 =	sand.u32 $0x4000, s31;
	s1 =	sadd.s32 s1, s30  }
0xbb: {  	s0 =	sor.u32 s3, s0;
	s1 =	sshll.u32 s1, $0x11  }
0xbc: {  	s0 =	sor.u32 s1, s0  }
0xbd: {  	s0 =	sadd.s32 $0x8F2B, s0  }
0xbe: {  	[sflag:s0] =	ssyncadd.remote.s32 $0x1  }
0xbf: {  	_ =	sfence.sel $0xFFFF  }
0xc0: {  	[dreg:$0x0] =	wrdreg $0xFFFFFFFF;
	(pc) =	sbr.abs _section_cstart, $3  }
0xc1: {  	[dreg:$0x1] =	wrdreg $0xFFFFFFFF  }
0xc2: {  	_ =	task.clear_ibuf [dreg:s7], $0x2FFFF;
	_ =	strace $0x9FFFFFFF  }
0xc3: {  	(tm) =	ssettm $0x7FFFFFFF  }
tec
execute0_lowered:
.L_overlay_start_1:
0x0: {  	(tag) =	ssettag $0x1  }
0x1: {  	s6 =	rddreg [dreg:$0x0]  }
0x2: {  	s8 =	rddreg [dreg:$0x1]  }
0x3: {  	s1 =	rddreg [dreg:$0x2]  }
0x4: {  	s2 =	srdreg.scid;
	s0 =	rddreg [dreg:$0x3];
	s3 =	simm.s32 $0x0  }
0x5: {  	s17 =	simm.s32 $0x8000;
	s18 =	simm.s32 $0x2;
	s19 =	simm.s32 $0x4000  }
0x6: {  	s20 =	simm.s32 $0x50;
	s5 =	sand.u32 $0x1, s2;
	s2 =	stileid.u32  }
0x7: {  	s21 =	simm.s32 $0x1;
	[smem:$0x7FF] =	sst s3;
	s7 =	smul.u32 $0x13C000, s5  }
0x8: {  	s4 =	sshll.u32 s5, $0xF;
	s9 =	sshll.u32 s2, $0xB;
	s10 =	smul.u32 $0x13C00, s2  }
0x9: {  	s11 =	smul.u32 $0x4F000, s2;
	_ =	strace $0x8000004D;
	s29 =	ssub.s32 $0x2, s5  }
0xa: {  	s9 =	sor.u32 s9, s4;
	s4 =	sadd.s32 $0x13000, s6;
	s31 =	sshrl.u32 s29, $0x1  }
0xb: {  	s12 =	sadd.s32 s9, s6;
	s7 =	sadd.s32 s10, s7;
	s30 =	sshrl.u32 s11, $0x2  }
0xc: {  	s10 =	ssub.s32 s29, s31;
	s8 =	sadd.s32 s8, s9;
	s7 =	sshrl.u32 s7, $0x3  }
0xd: {  	s5 =	sadd.s32 s30, s1;
	s10 =	smax.u32 s10, $0x1;
	s13 =	sadd.s32 s7, s6  }
0xe: {  	s6 =	sadd.s32 $0x11800, s5;
	s7 =	sadd.s32 $0x3000, s12;
	s11 =	sadd.s32 $0x2800, s5  }
0xf: {  	s12 =	sadd.s32 $0x5000, s5;
	s14 =	sadd.s32 $0xA000, s5;
	s15 =	sadd.s32 $0xC800, s5  }
0x10: {  	v0 =	vimm.f32 $0.0e+00;
	s16 =	sadd.s32 $0xF000, s5;
	s9 =	sadd.s32 $0x3A200, s13;
	s13 =	sadd.s32 $0x7800, s5  }
.LBB2_1:
0x11: {  	s22 =	simm.s32 $0x0;
	s23 =	simm.s32 $0x200  }
.LBB2_2:
0x12: {  	p0 =	sne.s32 s23, $0x9E00;
	[tilespmem:s22+$0x8070] =	vst v0  }
0x13: {  	[tilespmem:s22+$0x8000] =	vst v0  }
0x14: {  	[tilespmem:s22+$0x8010] =	vst v0  }
.Ltmp0:
0x15: {  	[tilespmem:s22+$0x8020] =	vst v0;
	(pc) =	sbr.rel @p0 .LBB2_2-.Ltmp0, $4  }
0x16: {  	[tilespmem:s22+$0x8030] =	vst v0  }
0x17: {  	[tilespmem:s22+$0x8040] =	vst v0  }
0x18: {  	[tilespmem:s22+$0x8050] =	vst v0  }
0x19: {  	[tilespmem:s22+$0x8060] =	vst v0;
	s22 =	sshra.s32 s23, $0x2;
	s23 =	sadd.s32 $0x200, s23  }
0x1a: {  	[tilespmem:s22+$0x8070] =	vst v0  }
0x1b: {  	[tilespmem:s22+$0x8000] =	vst v0  }
0x1c: {  	[tilespmem:s22+$0x8010] =	vst v0  }
0x1d: {  	[tilespmem:s22+$0x8020] =	vst v0  }
0x1e: {  	[tilespmem:s22+$0x8030] =	vst v0  }
0x1f: {  	[tilespmem:s22+$0x8040] =	vst v0  }
0x20: {  	[tilespmem:s22+$0x8050] =	vst v0  }
0x21: {  	[tilespmem:s22+$0x8060] =	vst v0  }
0x22: {  	[spmem:s5] =	stream.linear.scatter [tilespmem:s17], [sflag:$0x2], $0x2800, $0x38;
	[tilespmem:$0x1E400] =	vst v63  }
0x23: {  	_ =	swait.ge [sflag:s18], $0x2800  }
0x24: {  	[sflag:s18] =	ssyncset.done $0x0  }
0x25: {  	[sflag:s18] =	ssyncadd.s32 $0xFFFFD800  }
0x26: {  	[spmem:s11] =	stream.linear.scatter [tilespmem:s17], [sflag:$0x2], $0x2800, $0x38;
	[tilespmem:$0x1E400] =	vst v63  }
0x27: {  	_ =	swait.ge [sflag:s18], $0x2800  }
0x28: {  	[sflag:s18] =	ssyncset.done $0x0  }
0x29: {  	[sflag:s18] =	ssyncadd.s32 $0xFFFFD800  }
0x2a: {  	[spmem:s12] =	stream.linear.scatter [tilespmem:s17], [sflag:$0x2], $0x2800, $0x38;
	[tilespmem:$0x1E400] =	vst v63  }
0x2b: {  	_ =	swait.ge [sflag:s18], $0x2800  }
0x2c: {  	[sflag:s18] =	ssyncset.done $0x0  }
0x2d: {  	[sflag:s18] =	ssyncadd.s32 $0xFFFFD800  }
0x2e: {  	[spmem:s13] =	stream.linear.scatter [tilespmem:s17], [sflag:$0x2], $0x2800, $0x38;
	[tilespmem:$0x1E400] =	vst v63  }
0x2f: {  	_ =	swait.ge [sflag:s18], $0x2800  }
0x30: {  	[sflag:s18] =	ssyncset.done $0x0  }
0x31: {  	[sflag:s18] =	ssyncadd.s32 $0xFFFFD800  }
0x32: {  	[spmem:s14] =	stream.linear.scatter [tilespmem:s17], [sflag:$0x2], $0x2800, $0x38;
	[tilespmem:$0x1E400] =	vst v63  }
0x33: {  	_ =	swait.ge [sflag:s18], $0x2800  }
0x34: {  	[sflag:s18] =	ssyncset.done $0x0  }
0x35: {  	[sflag:s18] =	ssyncadd.s32 $0xFFFFD800  }
0x36: {  	[spmem:s15] =	stream.linear.scatter [tilespmem:s17], [sflag:$0x2], $0x2800, $0x38;
	[tilespmem:$0x1E400] =	vst v63  }
0x37: {  	_ =	swait.ge [sflag:s18], $0x2800  }
0x38: {  	[sflag:s18] =	ssyncset.done $0x0  }
0x39: {  	[sflag:s18] =	ssyncadd.s32 $0xFFFFD800  }
0x3a: {  	[spmem:s16] =	stream.linear.scatter [tilespmem:s17], [sflag:$0x2], $0x2800, $0x38;
	[tilespmem:$0x1E400] =	vst v63  }
0x3b: {  	_ =	swait.ge [sflag:s18], $0x2800  }
0x3c: {  	[sflag:s18] =	ssyncset.done $0x0  }
0x3d: {  	[sflag:s18] =	ssyncadd.s32 $0xFFFFD800  }
0x3e: {  	[spmem:s6] =	stream.linear.scatter [tilespmem:s17], [sflag:$0x2], $0x2400, $0x38;
	[tilespmem:$0x1E400] =	vst v63  }
0x3f: {  	_ =	swait.ge [sflag:s18], $0x2400  }
0x40: {  	[sflag:s18] =	ssyncset.done $0x0  }
0x41: {  	[sflag:s18] =	ssyncadd.s32 $0xFFFFDC00  }
0x42: {  	s29 =	simm.s32 $0x0;
	[bflag:$0x0] =	sbarrier.arrive $0xFFFF  }
0x43: {  	[tilespmem:s29], [sflag:$0x2] =	stream.linear.gather [hbm4b:s7+s29], $0x3E80, $0x38;
	[tilespmem:$0x1E400] =	vst v63  }
0x44: {  	_ =	swait.ge [sflag:s18], $0x3E80  }
0x45: {  	[sflag:s18] =	ssyncset.done $0x0  }
0x46: {  	[sflag:s18] =	ssyncadd.s32 $0xFFFFC180  }
0x47: {  	[tilespmem:s19], [sflag:$0x2] =	stream.linear.gather [hbm4b:s8+s29], $0x3E80, $0x38;
	[tilespmem:$0x1E400] =	vst v63  }
0x48: {  	_ =	swait.ge [sflag:s18], $0x3E80  }
0x49: {  	[sflag:s18] =	ssyncset.done $0x0  }
0x4a: {  	s30 =	simm.s32 $0x0;
	[sflag:s18] =	ssyncadd.s32 $0xFFFFC180  }
0x4b: {  	[tilespmem:s17], [sflag:$0x1] =	stream.indirect.gather [hbm4b:s4+s20], $0x80, s30, s20, $0xb8;
	[tilespmem:$0x1E400] =	vst v63  }
0x4c: {  	_ =	swait.ge [sflag:s21], $0x2800  }
0x4d: {  	[sflag:s21] =	ssyncset.done $0x0  }
0x4e: {  	s31 =	simm.s32 $0x4000;
	[sflag:s21] =	ssyncadd.s32 $0xFFFFD800  }
0x4f: {  	[spmem:s1] =	stream.indirect.scatter.add.f32 [tilespmem:s17], [sflag:$0x2], $0x80, s31, s20, $0xb8;
	[tilespmem:$0x1E400] =	vst v63  }
0x50: {  	_ =	swait.ge [sflag:s18], $0x2800  }
0x51: {  	s22 =	simm.s32 $0x200;
	s23 =	simm.s32 $0x400;
	[sflag:s18] =	ssyncset.done $0x0  }
.LBB2_4:
0x52: {  	s24 =	sshra.s32 s22, $0x2  }
0x53: {  	[sflag:s18] =	ssyncadd.s32 $0xFFFFD800;
	s22 =	smov.u32 s23;
	s25 =	sadd.s32 $0x200, s23  }
0x54: {  	[tilespmem:s17], [sflag:$0x1] =	stream.indirect.gather [hbm4b:s4+s20], $0x80, s24, s20, $0xb8;
	[tilespmem:$0x1E400] =	vst v63  }
0x55: {  	p0 =	sne.s32 s23, $0xF800;
	_ =	swait.ge [sflag:s21], $0x2800  }
.Ltmp1:
0x56: {  	[sflag:s21] =	ssyncset.done $0x0;
	(pc) =	sbr.rel @p0 .LBB2_4-.Ltmp1, $4  }
0x57: {  	s23 =	sadd.s32 $0x4000, s24;
	[sflag:s21] =	ssyncadd.s32 $0xFFFFD800  }
0x58: {  	[spmem:s1] =	stream.indirect.scatter.add.f32 [tilespmem:s17], [sflag:$0x2], $0x80, s23, s20, $0xb8;
	[tilespmem:$0x1E400] =	vst v63  }
0x59: {  	_ =	swait.ge [sflag:s18], $0x2800  }
0x5a: {  	s23 =	smov.u32 s25;
	[sflag:s18] =	ssyncset.done $0x0  }
0x5b: {  	s22 =	sshra.s32 s22, $0x2;
	[sflag:s18] =	ssyncadd.s32 $0xFFFFD800  }
0x5c: {  	[tilespmem:s17], [sflag:$0x1] =	stream.indirect.gather [hbm4b:s4+s20], $0x80, s22, s20, $0xb8;
	[tilespmem:$0x1E400] =	vst v63  }
0x5d: {  	_ =	swait.ge [sflag:s21], $0x2800  }
0x5e: {  	[sflag:s21] =	ssyncset.done $0x0  }
0x5f: {  	s22 =	sadd.s32 $0x4000, s22;
	[sflag:s21] =	ssyncadd.s32 $0xFFFFD800  }
0x60: {  	[spmem:s1] =	stream.indirect.scatter.add.f32 [tilespmem:s17], [sflag:$0x2], $0x80, s22, s20, $0xb8;
	[tilespmem:$0x1E400] =	vst v63  }
0x61: {  	_ =	swait.ge [sflag:s18], $0x2800  }
0x62: {  	s31 =	sshll.u32 s2, $0x6;
	s3 =	sadd.s32 $0x1, s3;
	[sflag:s18] =	ssyncset.done $0x0  }
0x63: {  	s23 =	sshrl.u32 s5, $0x3;
	p0 =	sne.s32 s3, s10;
	[sflag:s18] =	ssyncadd.s32 $0xFFFFD800  }
.Ltmp2:
0x64: {  	s22 =	sor.u32 $0x1C02, s31;
	[bflag:$0x0] =	sbarrier.arrive $0xFFFF;
	(pc) =	sbr.rel @p0 .LBB2_1-.Ltmp2, $4  }
0x65: {  	[hbm:s9], [sflag:s22] =	dma.local [spmem:s23], $0x2780  }
0x66: {  	_ =	swait.ge [sflag:s18], $0x2780  }
0x67: {  	[sflag:s18] =	ssyncset.done $0x0  }
0x68: {  	[sflag:s18] =	ssyncadd.s32 $0xFFFFD880  }
0x69: {  	_ =	sfence.sel $0x180000  }
0x6a: {  	[bflag:$0x0] =	sbarrier.arrive $0xFFFF  }
0x6b: {  	p0 =	sne.s32 s2, $0x0;
	_ =	strace $0x9000004D  }
0x6c: {  	s0 =	sadd.s32 @!p0 $0x100000, s0;
	[bflag:$0x2] =	sbarrier.arrive $0xFFFF  }
0x6d: {  	[sflag:s0] =	ssyncadd.tile.s32 @!p0 $0x1;
	_ =	shalt  }
.Lfunc_end2:
_tile_overlayer_lowered:
.L_overlay_start_2:
0x6e: {  	(tag) =	ssettag $0x2  }
0x6f: {  	s0 =	rddreg [dreg:$0x0];
	s2 =	stileid.u32  }
0x70: {  	s1 =	rddreg [dreg:$0x1];
	p0 =	sne.s32 s2, $0x0  }
0x71: {  	s3 =	rddreg [dreg:$0x2];
	[bflag:$0x3] =	sbarrier.arrive $0xFFFF;
	s2 =	simm.s32 @!p0 $0x1C02  }
0x72: {  	[timem:s3], [sflag:s2] =	dma.local @!p0 [hbm:s0], s1  }
0x73: {  	s0 =	simm.s32 @!p0 $0x2  }
0x74: {  	_ =	swait.ge @!p0 [sflag:s0], s1  }
0x75: {  	s1 =	ssub.s32 @!p0 $0x0, s1;
	[sflag:s0] =	ssyncset.done @!p0 $0x0  }
0x76: {  	[sflag:s0] =	ssyncadd.s32 @!p0 s1  }
0x77: {  	[bflag:$0x3] =	sbarrier.arrive $0xFFFF  }
0x78: {  	_ =	shalt  }

// kernel: kernel.8.cloned.1.call-start
scs
__scs_entry_jumppad:
0x0: {  	(pc) =	sbr.rel $0x88, $3  }
0x1: {  	(tag) =	ssettag $0x0;
	lr =	simm.s32 $0x1  }
0x2: {  	[smem:$0x3F9B] =	sst lr;
	_ =	strace $0xD0000000  }
0x3: {  	_ = 	snop  }
0x4: {  	_ = 	snop  }
0x5: {  	_ = 	snop  }
0x6: {  	_ = 	snop  }
0x7: {  	_ = 	snop  }
__scs_overlays_trampoline_lowered:
0x8: {  	[smem:$0x3FAA] =	sst s0  }
0x9: {  	[smem:$0x3FAB] =	sst s1  }
0xa: {  	[smem:$0x3FAC] =	sst s2  }
0xb: {  	[smem:$0x3FAD] =	sst s3  }
0xc: {  	[smem:$0x3FAE] =	sst s4  }
0xd: {  	[smem:$0x3FAF] =	sst s5  }
0xe: {  	[smem:$0x3FB0] =	sst s6  }
0xf: {  	[smem:$0x3FB1] =	sst s7  }
0x10: {  	[smem:$0x3FB2] =	sst s8  }
0x11: {  	[smem:$0x3FB3] =	sst s9;
	s0 =	simm.s32 @!p0 $0x0  }
0x12: {  	s1 =	sld [smem:$0x3F99];
	s0 =	simm.s32 @p0 $0x1  }
0x13: {  	[smem:$0x3FB4] =	sst s0;
	s0 =	simm.s32 @!p1 $0x0  }
0x14: {  	s2 =	sld [smem:$0x3F98];
	s0 =	simm.s32 @p1 $0x1  }
0x15: {  	[smem:$0x3FB5] =	sst s0;
	s0 =	simm.s32 @!p2 $0x0  }
0x16: {  	s3 =	sld [smem:$0x3FDB];
	s0 =	simm.s32 @p2 $0x1  }
0x17: {  	s4 =	simm.s32 $0x1BF5;
	[smem:$0x3FB7] =	sst s0  }
0x18: {  	s0 =	sld [smem:$0x3F9A];
	_ =	swait.ge [sflag:s4], $0x0  }
0x19: {  	s7 =	sld [smem:$0x3F9B]  }
0x1a: {  	s8 =	sadd.s32 $0xFFFFE003, lr  }
0x1b: {  	s9 =	sadd.s32 $0xFFFFFEF7, lr;
	s5 =	simm.s32 $0xFFFFFFFF;
	p2 =	slt.u32 s8, $0xFFFFF086  }
0x1c: {  	p1 =	slt.u32 s9, $0xF7A;
	s5 =	simm.s32 @!p2 $0x0  }
0x1d: {  	s5 =	simm.s32 @p1 $0x1;
	p0 =	seq.s32 s7, s2  }
0x1e: {  	s7 =	smul.u32 @!p0 $0xF7A, s2;
	p2 =	seq.s32 @!p0 s5, $0x0  }
0x1f: {  	s9 =	smul.u32 $0xF7A, s1;
	s8 =	simm.s32 @!p0 $0x1BF5;
	p2 =	por !p2, p0  }
0x20: {  	[sflag:s8] =	ssyncset.s32 @!p0 $0xFFFFF086;
	s6 =	sadd.s32 @!p0 s3, s7;
	s7 =	simm.s32 @!p0 $0x108  }
0x21: {  	s3 =	sadd.s32 s3, s9;
	s6 =	sadd.s32 @!p0 $0x88, s6;
	s7 =	simm.s32 @p2 $0x1082  }
0x22: {  	[simem:s7], [sflag:s8] =	dma.local @!p0 [hbm:s6], $0xF7A  }
0x23: {  	s9 =	sor.u32 $0xD0000000, s2;
	s6 =	simm.s32 $0x108;
	_ =	swait.ge @!p0 [sflag:s8], $0x0  }
0x24: {  	s3 =	sadd.s32 $0x88, s3;
	s6 =	simm.s32 @!p1 $0x1082;
	[sflag:s4] =	ssyncset.s32 $0xFFFFF086  }
0x25: {  	[simem:s6], [sflag:s4] =	dma.local [hbm:s3], $0xF7A  }
0x26: {  	[smem:$0x3F9B] =	sst s1;
	(tag) =	ssettag s2;
	_ =	strace s9  }
0x27: {  	s1 =	sld [smem:$0x3FAB]  }
0x28: {  	s2 =	sld [smem:$0x3FAC]  }
0x29: {  	s4 =	sld [smem:$0x3FAE]  }
0x2a: {  	p0 =	seq.s32 s5, $0x0;
	s5 =	sld [smem:$0x3FAF]  }
0x2b: {  	s6 =	sld [smem:$0x3FB0]  }
0x2c: {  	s7 =	sld [smem:$0x3FB1]  }
0x2d: {  	s3 =	simm.s32 $0x108;
	s8 =	sld [smem:$0x3FB2]  }
0x2e: {  	s3 =	simm.s32 @!p0 $0x1082;
	s9 =	sld [smem:$0x3FB3]  }
0x2f: {  	lr =	sadd.s32 s0, s3;
	s0 =	sld [smem:$0x3FAA]  }
0x30: {  	s3 =	sld [smem:$0x3FAD]  }
0x31: {  	[smem:$0x3FB6] =	sst s10  }
0x32: {  	s10 =	sld [smem:$0x3FB4];
	_ =	sdelay $0x3  }
0x33: {  	p0 =	seq.s32 s10, $0x1;
	s10 =	sld [smem:$0x3FB6];
	_ =	sdelay $0x3  }
0x34: {  	[smem:$0x3FB6] =	sst s10  }
0x35: {  	s10 =	sld [smem:$0x3FB5];
	_ =	sdelay $0x3  }
0x36: {  	p1 =	seq.s32 s10, $0x1;
	s10 =	sld [smem:$0x3FB6];
	_ =	sdelay $0x3  }
0x37: {  	[smem:$0x3FB6] =	sst s10  }
0x38: {  	s10 =	sld [smem:$0x3FB7]  }
0x39: {  	_ = 	snop;
	(pc) =	sbr.ind lr, $3  }
0x3a: {  	_ = 	snop  }
0x3b: {  	_ = 	snop  }
0x3c: {  	p2 =	seq.s32 s10, $0x1;
	s10 =	sld [smem:$0x3FB6]  }
0x3d: {  	_ =	shalt  }
0x3e: {  	_ =	shalt  }
0x3f: {  	_ =	shalt  }
0x40: {  	_ =	shalt  }
0x41: {  	_ =	shalt  }
0x42: {  	_ =	shalt  }
0x43: {  	_ =	shalt  }
0x44: {  	_ =	shalt  }
0x45: {  	_ =	shalt  }
0x46: {  	_ =	shalt  }
0x47: {  	_ =	shalt  }
0x48: {  	_ =	shalt  }
0x49: {  	_ =	shalt  }
0x4a: {  	_ =	shalt  }
0x4b: {  	_ =	shalt  }
0x4c: {  	_ =	shalt  }
0x4d: {  	_ =	shalt  }
0x4e: {  	_ =	shalt  }
0x4f: {  	_ =	shalt  }
0x50: {  	_ =	shalt  }
0x51: {  	_ =	shalt  }
0x52: {  	_ =	shalt  }
0x53: {  	_ =	shalt  }
0x54: {  	_ =	shalt  }
0x55: {  	_ =	shalt  }
0x56: {  	_ =	shalt  }
0x57: {  	_ =	shalt  }
0x58: {  	_ =	shalt  }
0x59: {  	_ =	shalt  }
0x5a: {  	_ =	shalt  }
0x5b: {  	_ =	shalt  }
0x5c: {  	_ =	shalt  }
0x5d: {  	_ =	shalt  }
0x5e: {  	_ =	shalt  }
0x5f: {  	_ =	shalt  }
0x60: {  	_ =	shalt  }
0x61: {  	_ =	shalt  }
0x62: {  	_ =	shalt  }
0x63: {  	_ =	shalt  }
0x64: {  	_ =	shalt  }
0x65: {  	_ =	shalt  }
0x66: {  	_ =	shalt  }
0x67: {  	_ =	shalt  }
0x68: {  	_ =	shalt  }
0x69: {  	_ =	shalt  }
0x6a: {  	_ =	shalt  }
0x6b: {  	_ =	shalt  }
0x6c: {  	_ =	shalt  }
0x6d: {  	_ =	shalt  }
0x6e: {  	_ =	shalt  }
0x6f: {  	_ =	shalt  }
0x70: {  	_ =	shalt  }
0x71: {  	_ =	shalt  }
0x72: {  	_ =	shalt  }
0x73: {  	_ =	shalt  }
0x74: {  	_ =	shalt  }
0x75: {  	_ =	shalt  }
0x76: {  	_ =	shalt  }
0x77: {  	_ =	shalt  }
0x78: {  	_ =	shalt  }
0x79: {  	_ =	shalt  }
0x7a: {  	_ =	shalt  }
0x7b: {  	_ =	shalt  }
0x7c: {  	_ =	shalt  }
0x7d: {  	_ =	shalt  }
0x7e: {  	_ =	shalt  }
0x7f: {  	_ =	shalt  }
0x80: {  	_ =	shalt  }
0x81: {  	_ =	shalt  }
0x82: {  	_ =	shalt  }
0x83: {  	_ =	shalt  }
0x84: {  	_ =	shalt  }
0x85: {  	_ =	shalt  }
0x86: {  	_ =	shalt  }
0x87: {  	_ =	shalt  }
.Lfunc_end0:
.L_simem_size_0:
called_computation_lowered:
.L_overlay_start_0:
0x88: {  	s2 =	sld [smem:$0x3FD9]  }
0x89: {  	s3 =	sld [smem:$0x3FFE];
	_ =	sdelay $0x1  }
0x8a: {  	s1 =	srdreg.scid  }
0x8b: {  	s0 =	sand.u32 $0x1, s1  }
0x8c: {  	s17 =	sshll.u32 s0, $0xA;
	s2 =	sadd.s32 s3, s2  }
0x8d: {  	s2 =	sadd.s32 s2, s17  }
0x8e: {  	[smem:$0x3FC2] =	sst s2  }
0x8f: {  	_ = 	snop  }
0x90: {  	s2 =	sld [smem:$0x3FD0];
	(tm) =	ssettm $0x1  }
0x91: {  	s18 =	sld [smem:$0x3FFB];
	_ =	sdelay $0x3  }
0x92: {  	_ =	strace s18  }
0x93: {  	s3 =	sld [smem:$0x3FFC];
	_ =	sdelay $0x3  }
0x94: {  	_ =	strace s3  }
0x95: {  	s3 =	sld [smem:$0x3FFD];
	_ =	sdelay $0x3  }
0x96: {  	_ =	strace s3  }
0x97: {  	_ =	strace $0x8FFFFFFF  }
0x98: {  	s19 =	sld [smem:$0x3FDB];
	_ =	sdelay $0x1  }
0x99: {  	s4 =	simm.s32 $_scs_section_size  }
0x9a: {  	s5 =	simm.s32 $_size__tile_overlayer_lowered;
	s6 =	simm.s32 $_tile_overlayer_lowered  }
0x9b: {  	s22 =	simm.s32 $0x1BFF;
	s21 =	sshll.u32 s6, $0x1;
	s3 =	sadd.s32 s4, s19  }
0x9c: {  	s7 =	simm.s32 $0x0;
	s20 =	sshll.u32 s5, $0x1;
	s5 =	sadd.s32 s21, s3  }
0x9d: {  	[timem:s7], [sflag:s22] =	dma.local [hbm:s5], s20  }
0x9e: {  	_ =	swait.ge [sflag:s22], s20  }
0x9f: {  	s4 =	ssub.s32 $0x0, s20;
	[sflag:s22] =	ssyncset.done $0x0  }
0xa0: {  	[sflag:s22] =	ssyncadd.s32 s4;
	_ =	sdelay $0x1  }
0xa1: {  	s23 =	simm.s32 $0x1B8B  }
0xa2: {  	_ =	swait.ge [sflag:s23], $0x1  }
0xa3: {  	[sflag:s23] =	ssyncset.done $0x0  }
0xa4: {  	s25 =	simm.s32 $0x1B8E;
	s24 =	sld [smem:$0x3FFE];
	[sflag:s23] =	ssyncadd.s32 $0xFFFFFFFF  }
0xa5: {  	s26 =	simm.s32 $execute0_lowered;
	[smem:$0x3FD2] =	sst s25  }
0xa6: {  	s5 =	sshll.u32 s26, $0x1;
	_ =	strace $0x80000046;
	[dreg:$0x1] =	wrdreg $0xFFFFFFFF  }
0xa7: {  	s28 =	simm.s32 $_size_execute0_lowered;
	s3 =	sadd.s32 s3, s5;
	[dreg:$0x0] =	wrdreg $0x0  }
0xa8: {  	s5 =	sshll.u32 s28, $0x1;
	[dreg:$0x2] =	wrdreg s3  }
0xa9: {  	[dreg:$0x3] =	wrdreg s5  }
0xaa: {  	[dreg:$0x4] =	wrdreg $0xC0  }
0xab: {  	_ =	task [dreg:s7], $0x5FFFF  }
0xac: {  	[dreg:$0x1] =	wrdreg $0xFFFFFFFF  }
0xad: {  	[dreg:$0x0] =	wrdreg $0x60  }
0xae: {  	[dreg:$0x2] =	wrdreg s2  }
0xaf: {  	[dreg:$0x3] =	wrdreg s24  }
0xb0: {  	[dreg:$0x4] =	wrdreg $0x43000  }
0xb1: {  	[dreg:$0x5] =	wrdreg $0x9  }
0xb2: {  	_ =	task.clear_ibuf [dreg:s7], $0x6FFFF;
	_ =	strace $0x90000046  }
0xb3: {  	s29 =	simm.s32 $0x9;
	_ =	strace $0x80000048  }
0xb4: {  	_ =	swait.ge [sflag:s29], $0x1  }
0xb5: {  	[sflag:s29] =	ssyncadd.s32 $0xFFFFFFFF  }
0xb6: {  	_ =	strace $0x90000048  }
0xb7: {  	_ =	sfence  }
0xb8: {  	s30 =	sld [smem:$0x0];
	_ =	sdelay $0x2  }
0xb9: {  	s31 =	sshll.u32 s1, $0xD;
	s1 =	sshrl.u32 s1, $0x2  }
0xba: {  	s3 =	sand.u32 $0x4000, s31;
	s1 =	sadd.s32 s1, s30  }
0xbb: {  	s0 =	sor.u32 s3, s0;
	s1 =	sshll.u32 s1, $0x11  }
0xbc: {  	s0 =	sor.u32 s1, s0  }
0xbd: {  	s0 =	sadd.s32 $0x8F2B, s0  }
0xbe: {  	[sflag:s0] =	ssyncadd.remote.s32 $0x1  }
0xbf: {  	_ =	sfence.sel $0xFFFF  }
0xc0: {  	[dreg:$0x0] =	wrdreg $0xFFFFFFFF;
	(pc) =	sbr.abs _section_cstart, $3  }
0xc1: {  	[dreg:$0x1] =	wrdreg $0xFFFFFFFF  }
0xc2: {  	_ =	task.clear_ibuf [dreg:s7], $0x2FFFF;
	_ =	strace $0x9FFFFFFF  }
0xc3: {  	(tm) =	ssettm $0x7FFFFFFF  }
tec
execute0_lowered:
.L_overlay_start_1:
0x0: {  	(tag) =	ssettag $0x1  }
0x1: {  	s4 =	rddreg [dreg:$0x0]  }
0x2: {  	s5 =	rddreg [dreg:$0x1]  }
0x3: {  	s2 =	rddreg [dreg:$0x2]  }
0x4: {  	s0 =	rddreg [dreg:$0x3]  }
0x5: {  	s6 =	srdreg.scid;
	s1 =	stileid.u32;
	s3 =	simm.s32 $0x0  }
0x6: {  	s11 =	simm.s32 $0x4000;
	s14 =	simm.s32 $0x20;
	s15 =	simm.s32 $0x10  }
0x7: {  	s16 =	simm.s32 $0x0;
	s6 =	sand.u32 $0x1, s6;
	s7 =	smul.u32 $0x500, s1  }
0x8: {  	[smem:$0x7FF] =	sst s3;
	s9 =	smul.u32 $0xA00, s1;
	s10 =	sshll.u32 s1, $0xB  }
0x9: {  	s12 =	sshll.u32 s1, $0x6;
	s8 =	sshll.u32 s6, $0x7;
	_ =	strace $0x80000047  }
0xa: {  	s30 =	ssub.s32 $0x2, s6;
	s6 =	sshll.u32 s6, $0xF;
	s10 =	sadd.s32 s4, s10  }
0xb: {  	s12 =	sor.u32 $0x1C01, s12;
	s7 =	sor.u32 s8, s7;
	s31 =	sshrl.u32 s30, $0x1  }
0xc: {  	s9 =	sshrl.u32 s9, $0x2;
	s7 =	sshrl.u32 s7, $0x3;
	s8 =	ssub.s32 s30, s31  }
0xd: {  	s4 =	sadd.s32 s9, s2;
	s9 =	simm.s32 $0x1;
	s7 =	sadd.s32 s7, s5  }
0xe: {  	s5 =	sadd.s32 s6, s10;
	s10 =	simm.s32 $0x50;
	s13 =	sshrl.u32 s4, $0x3  }
0xf: {  	v0 =	vimm.f32 $1.000000000e+00;
	v1 =	vimm.f32 $0.0e+00;
	s6 =	sadd.s32 $0x2600, s7;
	s7 =	smax.u32 s8, $0x1;
	s8 =	simm.s32 $0x4080  }
.LBB2_1:
0x10: {  	[tilespmem:$0x4000] =	vst v0  }
0x11: {  	[tilespmem:$0x4010] =	vst v0  }
0x12: {  	[tilespmem:$0x4020] =	vst v0  }
0x13: {  	[tilespmem:$0x4030] =	vst v0  }
0x14: {  	[tilespmem:$0x4040] =	vst v0  }
0x15: {  	[tilespmem:$0x4080] =	vst v1  }
0x16: {  	[tilespmem:$0x4090] =	vst v1  }
0x17: {  	[tilespmem:$0x40A0] =	vst v1  }
0x18: {  	[tilespmem:$0x40B0] =	vst v1  }
0x19: {  	[tilespmem:$0x40C0] =	vst v1  }
0x1a: {  	[tilespmem:$0x40D0] =	vst v1  }
0x1b: {  	[tilespmem:$0x40E0] =	vst v1  }
0x1c: {  	[tilespmem:$0x40F0] =	vst v1  }
0x1d: {  	[tilespmem:$0x4100] =	vst v1  }
0x1e: {  	[tilespmem:$0x4110] =	vst v1  }
0x1f: {  	[tilespmem:$0x4120] =	vst v1  }
0x20: {  	[tilespmem:$0x4130] =	vst v1  }
0x21: {  	[tilespmem:$0x4140] =	vst v1  }
0x22: {  	[tilespmem:$0x4150] =	vst v1  }
0x23: {  	[tilespmem:$0x4160] =	vst v1  }
0x24: {  	[tilespmem:$0x4170] =	vst v1  }
0x25: {  	[tilespmem:$0x4180] =	vst v1  }
0x26: {  	[tilespmem:$0x4190] =	vst v1  }
0x27: {  	[tilespmem:$0x41A0] =	vst v1  }
0x28: {  	[tilespmem:$0x41B0] =	vst v1  }
0x29: {  	[tilespmem:$0x41C0] =	vst v1  }
0x2a: {  	[tilespmem:$0x41D0] =	vst v1  }
0x2b: {  	[tilespmem:$0x41E0] =	vst v1  }
0x2c: {  	[tilespmem:$0x41F0] =	vst v1  }
0x2d: {  	[tilespmem:$0x4200] =	vst v1  }
0x2e: {  	[tilespmem:$0x4210] =	vst v1  }
0x2f: {  	[tilespmem:$0x4220] =	vst v1  }
0x30: {  	[tilespmem:$0x4230] =	vst v1  }
0x31: {  	[tilespmem:$0x4240] =	vst v1  }
0x32: {  	[tilespmem:$0x4250] =	vst v1  }
0x33: {  	[tilespmem:$0x4260] =	vst v1  }
0x34: {  	[tilespmem:$0x4270] =	vst v1  }
0x35: {  	[tilespmem:$0x4280] =	vst v1  }
0x36: {  	[tilespmem:$0x4290] =	vst v1  }
0x37: {  	[tilespmem:$0x42A0] =	vst v1  }
0x38: {  	[tilespmem:$0x42B0] =	vst v1  }
0x39: {  	[tilespmem:$0x42C0] =	vst v1  }
0x3a: {  	[tilespmem:$0x42D0] =	vst v1  }
0x3b: {  	[tilespmem:$0x42E0] =	vst v1  }
0x3c: {  	[tilespmem:$0x42F0] =	vst v1  }
0x3d: {  	[spmem:s4] =	stream.linear.scatter [tilespmem:s8], [sflag:$0x1], $0x280, $0x38;
	[tilespmem:$0x4580] =	vst v63  }
0x3e: {  	_ =	swait.ge [sflag:s9], $0x280  }
0x3f: {  	[sflag:s9] =	ssyncset.done $0x0  }
0x40: {  	[sflag:s9] =	ssyncadd.s32 $0xFFFFFD80  }
0x41: {  	[bflag:$0x0] =	sbarrier.arrive $0xFFFF  }
0x42: {  	[tilespmem:s3], [sflag:$0x1] =	stream.linear.gather [hbm4b:s5+s3], $0x3E80, $0x38;
	[tilespmem:$0x4580] =	vst v63  }
0x43: {  	_ =	swait.ge [sflag:s9], $0x3E80  }
0x44: {  	[sflag:s9] =	ssyncset.done $0x0  }
0x45: {  	s17 =	simm.s32 $0x0;
	[sflag:s9] =	ssyncadd.s32 $0xFFFFC180  }
0x46: {  	[spmem:s2] =	stream.indirect.scatter.add.f32 [tilespmem:s11], [sflag:$0x1], $0x1, s17, s10, $0xb8;
	[tilespmem:$0x4580] =	vst v63  }
0x47: {  	_ =	swait.ge [sflag:s9], $0x50  }
0x48: {  	s17 =	simm.s32 $0x200;
	[sflag:s9] =	ssyncset.done $0x0  }
.LBB2_2:
0x49: {  	s18 =	sshra.s32 s17, $0x2;
	[sflag:s9] =	ssyncadd.s32 $0xFFFFFFB0;
	p0 =	sne.s32 s17, $0xF800  }
0x4a: {  	[spmem:s2] =	stream.indirect.scatter.add.f32 [tilespmem:s11], [sflag:$0x1], $0x1, s18, s10, $0xb8;
	[tilespmem:$0x4580] =	vst v63  }
.Ltmp0:
0x4b: {  	_ = 	snop;
	(pc) =	sbr.rel @p0 .LBB2_2-.Ltmp0, $4  }
0x4c: {  	_ = 	snop  }
0x4d: {  	s17 =	sadd.s32 $0x200, s17  }
0x4e: {  	_ =	swait.ge [sflag:s9], $0x50  }
0x4f: {  	[sflag:s9] =	ssyncset.done $0x0  }
0x50: {  	s16 =	sadd.s32 $0x1, s16  }
0x51: {  	[sflag:s9] =	ssyncadd.s32 $0xFFFFFFB0;
	p0 =	sne.s32 s16, s7  }
.Ltmp1:
0x52: {  	[bflag:$0x0] =	sbarrier.arrive $0xFFFF;
	(pc) =	sbr.rel @p0 .LBB2_1-.Ltmp1, $4  }
0x53: {  	[hbm:s6@s14], [sflag:s12] =	dma.strided [spmem:s13@s15], $0x50, s9, $0x10   }
0x54: {  	_ =	swait.ge [sflag:s9], $0x50  }
0x55: {  	[sflag:s9] =	ssyncset.done $0x0  }
0x56: {  	[sflag:s9] =	ssyncadd.s32 $0xFFFFFFB0  }
0x57: {  	_ =	sfence.sel $0x180000  }
0x58: {  	[bflag:$0x0] =	sbarrier.arrive $0xFFFF  }
0x59: {  	p0 =	sne.s32 s1, $0x0;
	_ =	strace $0x90000047  }
0x5a: {  	s0 =	sadd.s32 @!p0 $0x100000, s0;
	[bflag:$0x2] =	sbarrier.arrive $0xFFFF  }
0x5b: {  	[sflag:s0] =	ssyncadd.tile.s32 @!p0 $0x1;
	_ =	shalt  }
.Lfunc_end2:
_tile_overlayer_lowered:
.L_overlay_start_2:
0x5c: {  	(tag) =	ssettag $0x2  }
0x5d: {  	s0 =	rddreg [dreg:$0x0];
	s2 =	stileid.u32  }
0x5e: {  	s1 =	rddreg [dreg:$0x1];
	p0 =	sne.s32 s2, $0x0  }
0x5f: {  	s3 =	rddreg [dreg:$0x2];
	[bflag:$0x3] =	sbarrier.arrive $0xFFFF;
	s2 =	simm.s32 @!p0 $0x1C01  }
0x60: {  	[timem:s3], [sflag:s2] =	dma.local @!p0 [hbm:s0], s1  }
0x61: {  	s0 =	simm.s32 @!p0 $0x1  }
0x62: {  	_ =	swait.ge @!p0 [sflag:s0], s1  }
0x63: {  	s1 =	ssub.s32 @!p0 $0x0, s1;
	[sflag:s0] =	ssyncset.done @!p0 $0x0  }
0x64: {  	[sflag:s0] =	ssyncadd.s32 @!p0 s1  }
0x65: {  	[bflag:$0x3] =	sbarrier.arrive $0xFFFF  }
0x66: {  	_ =	shalt  }

</sc_bundles>
